<compile_context>
chip_gen: v7x
topology: tpu7x:2x2x1
jax: 0.10.2.dev20260603
libtpu: 0.0.44.dev20260713+nightly
codegen_flags: <defaults>
</compile_context>

<pallas_src>
import functools

import jax
import jax.numpy as jnp
from jax import lax
from jax.experimental import pallas as pl
from jax.experimental.pallas import tpu as pltpu
from jax.experimental.pallas import tpu_sc as plsc

EMB_DIM = 64
BATCH = 16384
LANES = 16

_info = plsc.get_sparse_core_info()
_NC, _NS = _info.num_cores, _info.num_subcores
_NW = _NC * _NS
_B_PER_W = BATCH // _NW
_CHUNK = 64
_N_CHUNKS = _B_PER_W // _CHUNK
PAD = 128 - EMB_DIM
ROW_W = 128
_ROW_UNROLL = 2


def _body(uids_hbm, iids_hbm, utab_hbm, itab_hbm, wvec_hbm, bvec_hbm,
          out_hbm,
          uidx_v, iidx_v, ubuf_v, vbuf_v, wvec_v, bvec_v, cums_v, outbuf_v,
          sem_idx, sem_c0, sem_c1, sem_c2, sem_c3, sem_c4, sem_c5, sem_c6,
          sem_c7):
    wid = lax.axis_index("s") * _NC + lax.axis_index("c")
    sems = [sem_c0, sem_c1, sem_c2, sem_c3, sem_c4, sem_c5, sem_c6, sem_c7]
    base = wid * _B_PER_W

    staging = [
        pltpu.async_copy(
            uids_hbm.at[pl.ds(wid * _N_CHUNKS, _N_CHUNKS)], uidx_v, sem_idx),
        pltpu.async_copy(
            iids_hbm.at[pl.ds(wid * _N_CHUNKS, _N_CHUNKS)], iidx_v, sem_idx),
        pltpu.async_copy(wvec_hbm, wvec_v, sem_idx),
        pltpu.async_copy(bvec_hbm, bvec_v, sem_idx),
    ]
    for c in staging:
        c.wait()

    def fire(j):
        half = (j % 2) * _CHUNK
        return (
            pltpu.async_copy(utab_hbm.at[uidx_v.at[j]],
                             ubuf_v.at[pl.ds(half, _CHUNK)], sems[j]),
            pltpu.async_copy(itab_hbm.at[iidx_v.at[j]],
                             vbuf_v.at[pl.ds(half, _CHUNK)], sems[j]),
        )

    ws = [wvec_v[pl.ds(g * LANES, LANES)] for g in range(EMB_DIM // LANES)]
    bias = bvec_v[...]
    lane15 = jnp.full((LANES,), 15, jnp.int32)

    def make_row_body(j):
        half = (j % 2) * _CHUNK

        def row_body(r, carry):
            for t in range(_ROW_UNROLL):
                rr = r * _ROW_UNROLL + t
                br = half + rr
                p = None
                for g in range(EMB_DIM // LANES):
                    sl = pl.ds(g * LANES, LANES)
                    term = ubuf_v[br, sl] * vbuf_v[br, sl] * ws[g]
                    p = term if p is None else p + term
                cums_v[j * _CHUNK + rr] = plsc.cumsum(p)
            return carry
        return row_body

    def block_body(b, carry):
        rows = b * LANES + lax.iota(jnp.int32, LANES)
        tot = plsc.load_gather(cums_v, [rows, lane15])
        acc = tot + bias
        res = 1.0 / (1.0 + jnp.exp(-acc))
        outbuf_v[pl.ds(b * LANES, LANES)] = res
        return carry

    copies = {0: fire(0), 1: fire(1)}
    for j in range(_N_CHUNKS):
        cu, cv = copies[j]
        cu.wait()
        cv.wait()
        lax.fori_loop(0, _CHUNK // _ROW_UNROLL, make_row_body(j), 0)
        if j + 2 < _N_CHUNKS:
            copies[j + 2] = fire(j + 2)

    lax.fori_loop(0, _B_PER_W // LANES, block_body, 0)
    pltpu.sync_copy(outbuf_v, out_hbm.at[pl.ds(base, _B_PER_W)])


@jax.jit
def _sc_call(uids, iids, utab, itab, w_vec, b_vec):
    mesh = plsc.VectorSubcoreMesh(core_axis_name="c", subcore_axis_name="s")
    fn = functools.partial(
        pl.kernel, mesh=mesh,
        compiler_params=pltpu.CompilerParams(needs_layout_passes=False),
        out_type=jax.ShapeDtypeStruct((BATCH,), jnp.float32),
        scratch_types=[
            pltpu.VMEM((_N_CHUNKS, _CHUNK), jnp.int32),
            pltpu.VMEM((_N_CHUNKS, _CHUNK), jnp.int32),
            pltpu.VMEM((2 * _CHUNK, ROW_W), jnp.float32),
            pltpu.VMEM((2 * _CHUNK, ROW_W), jnp.float32),
            pltpu.VMEM((EMB_DIM,), jnp.float32),
            pltpu.VMEM((LANES,), jnp.float32),
            pltpu.VMEM((_B_PER_W, LANES), jnp.float32),
            pltpu.VMEM((_B_PER_W,), jnp.float32),
            pltpu.SemaphoreType.DMA,
            pltpu.SemaphoreType.DMA,
            pltpu.SemaphoreType.DMA,
            pltpu.SemaphoreType.DMA,
            pltpu.SemaphoreType.DMA,
            pltpu.SemaphoreType.DMA,
            pltpu.SemaphoreType.DMA,
            pltpu.SemaphoreType.DMA,
            pltpu.SemaphoreType.DMA,
        ],
    )(_body)
    return fn(uids, iids, utab, itab, w_vec, b_vec)


def kernel(user_ids, item_ids, user_table, item_table, W_out, b_out):
    uids = user_ids.astype(jnp.int32).reshape(BATCH // _CHUNK, _CHUNK)
    iids = item_ids.astype(jnp.int32).reshape(BATCH // _CHUNK, _CHUNK)
    utab = jnp.pad(user_table, ((0, 0), (0, PAD)))
    itab = jnp.pad(item_table, ((0, 0), (0, PAD)))
    w_vec = W_out.reshape(EMB_DIM).astype(jnp.float32)
    b_vec = jnp.broadcast_to(b_out.astype(jnp.float32), (LANES,))
    return _sc_call(uids, iids, utab, itab, w_vec, b_vec)

# --- scband reference (transcript-rebuilt; emitter-appended) ---
"""Pipeline reference for scband-gmfonly-72722386256446 (READ-ONLY COPY).

The authoritative reference and input builder live on the scoring server;
editing this copy changes nothing except your own understanding.
"""

import jax, jax.numpy as jnp
import numpy as np

N_USERS = 100000
N_ITEMS = 100000
EMB_DIM = 64
BATCH = 16384


def setup_inputs(seed=0) -> dict:
    key = jax.random.key(seed)
    k1, k2, k3, k4, k5, k6 = jax.random.split(key, 6)
    user_ids = jax.random.randint(k1, (BATCH,), 0, N_USERS, dtype=jnp.int64) if jax.config.jax_enable_x64 else jax.random.randint(k1, (BATCH,), 0, N_USERS, dtype=jnp.int32)
    item_ids = jax.random.randint(k2, (BATCH,), 0, N_ITEMS, dtype=jnp.int32)
    user_table = jax.random.normal(k3, (N_USERS, EMB_DIM), dtype=jnp.float32) * 0.01
    item_table = jax.random.normal(k4, (N_ITEMS, EMB_DIM), dtype=jnp.float32) * 0.01
    # nn.Linear(emb_dim, 1): kaiming-uniform-ish init bound = 1/sqrt(emb_dim)
    bound = 1.0 / np.sqrt(EMB_DIM)
    W_out = jax.random.uniform(k5, (EMB_DIM, 1), dtype=jnp.float32, minval=-bound, maxval=bound)
    b_out = jax.random.uniform(k6, (1,), dtype=jnp.float32, minval=-bound, maxval=bound)
    return {
        "user_ids": user_ids,
        "item_ids": item_ids,
        "user_table": user_table,
        "item_table": item_table,
        "W_out": W_out,
        "b_out": b_out,
    }


def reference(user_ids, item_ids, user_table, item_table, W_out, b_out):
    # Embedding lookups (SparseCore gather)
    u = jnp.take(user_table, user_ids, axis=0)  # [B, D]
    v = jnp.take(item_table, item_ids, axis=0)  # [B, D]
    # GMF: elementwise product, then linear head to scalar logit
    logits = (u * v) @ W_out + b_out  # [B, 1]
    score = jnp.squeeze(logits, axis=1)  # [B]
    return jax.nn.sigmoid(score)

if __name__ == "__main__":
    import jax
    _d = setup_inputs()
    print(jax.jit(kernel)(*tuple(_d.values())))

</pallas_src>

<mosaic_0001>
#map = affine_map<(d0, d1) -> (0, 0)>
#map1 = affine_map<(d0, d1) -> (0)>
module attributes {stable_mosaic.version = 14 : i64} {
  func.func @_body(%arg0: i32, %arg1: i32, %arg2: memref<256x64xi32, #tpu.memory_space<hbm>>, %arg3: memref<256x64xi32, #tpu.memory_space<hbm>>, %arg4: memref<100000x128xf32, #tpu.memory_space<hbm>>, %arg5: memref<100000x128xf32, #tpu.memory_space<hbm>>, %arg6: memref<64xf32, #tpu.memory_space<hbm>>, %arg7: memref<16xf32, #tpu.memory_space<hbm>>, %arg8: memref<16384xf32, #tpu.memory_space<hbm>>, %arg9: memref<8x64xi32, #tpu.memory_space<vmem>>, %arg10: memref<8x64xi32, #tpu.memory_space<vmem>>, %arg11: memref<128x128xf32, #tpu.memory_space<vmem>>, %arg12: memref<128x128xf32, #tpu.memory_space<vmem>>, %arg13: memref<64xf32, #tpu.memory_space<vmem>>, %arg14: memref<16xf32, #tpu.memory_space<vmem>>, %arg15: memref<512x16xf32, #tpu.memory_space<vmem>>, %arg16: memref<512xf32, #tpu.memory_space<vmem>>, %arg17: memref<!tpu.dma_semaphore, #tpu.memory_space<semaphore_mem>>, %arg18: memref<!tpu.dma_semaphore, #tpu.memory_space<semaphore_mem>>, %arg19: memref<!tpu.dma_semaphore, #tpu.memory_space<semaphore_mem>>, %arg20: memref<!tpu.dma_semaphore, #tpu.memory_space<semaphore_mem>>, %arg21: memref<!tpu.dma_semaphore, #tpu.memory_space<semaphore_mem>>, %arg22: memref<!tpu.dma_semaphore, #tpu.memory_space<semaphore_mem>>, %arg23: memref<!tpu.dma_semaphore, #tpu.memory_space<semaphore_mem>>, %arg24: memref<!tpu.dma_semaphore, #tpu.memory_space<semaphore_mem>>, %arg25: memref<!tpu.dma_semaphore, #tpu.memory_space<semaphore_mem>>) attributes {dimension_semantics = [#tpu.dimension_semantics<core_parallel>, #tpu.dimension_semantics<subcore_parallel>], iteration_bounds = array<i64: 2, 16>, scalar_prefetch = 0 : i64, scratch_operands = 17 : i64, tpu.core_type = #tpu.core_type<sc_vector_subcore>, window_params = [{transform_indices = #map}, {transform_indices = #map}, {transform_indices = #map}, {transform_indices = #map}, {transform_indices = #map1}, {transform_indices = #map1}, {transform_indices = #map1}]} {
    %mul3A = arith.constant 2 : i32
    %mul3A_0 = arith.muli %arg1, %mul3A : i32
    %add3A = arith.addi %mul3A_0, %arg0 : i32
    %mul3A_1 = arith.constant 512 : i32
    %mul3A_2 = arith.muli %add3A, %mul3A_1 : i32
    %mul3A_3 = arith.constant 8 : i32
    %mul3A_4 = arith.muli %add3A, %mul3A_3 : i32
    %dma_start3A = arith.constant 0 : i32
    %dma_start3A_5 = tpu.memref_slice %arg2[%mul3A_4, %dma_start3A] : memref<256x64xi32, #tpu.memory_space<hbm>> -> memref<8x64xi32, #tpu.memory_space<hbm>>
    %dma_start3A_6 = arith.constant 0 : i32
    %dma_start3A_7 = tpu.memref_slice %arg2[%mul3A_4, %dma_start3A_6] : memref<256x64xi32, #tpu.memory_space<hbm>> -> memref<8x64xi32, #tpu.memory_space<hbm>>
    tpu.enqueue_dma source(%dma_start3A_7 : memref<8x64xi32, #tpu.memory_space<hbm>>) target(%arg9 : memref<8x64xi32, #tpu.memory_space<vmem>>) target_semaphore(%arg17 : memref<!tpu.dma_semaphore, #tpu.memory_space<semaphore_mem>>)
    %mul3A_8 = arith.constant 8 : i32
    %mul3A_9 = arith.muli %add3A, %mul3A_8 : i32
    %dma_start3A_10 = arith.constant 0 : i32
    %dma_start3A_11 = tpu.memref_slice %arg3[%mul3A_9, %dma_start3A_10] : memref<256x64xi32, #tpu.memory_space<hbm>> -> memref<8x64xi32, #tpu.memory_space<hbm>>
    %dma_start3A_12 = arith.constant 0 : i32
    %dma_start3A_13 = tpu.memref_slice %arg3[%mul3A_9, %dma_start3A_12] : memref<256x64xi32, #tpu.memory_space<hbm>> -> memref<8x64xi32, #tpu.memory_space<hbm>>
    tpu.enqueue_dma source(%dma_start3A_13 : memref<8x64xi32, #tpu.memory_space<hbm>>) target(%arg10 : memref<8x64xi32, #tpu.memory_space<vmem>>) target_semaphore(%arg17 : memref<!tpu.dma_semaphore, #tpu.memory_space<semaphore_mem>>)
    tpu.enqueue_dma source(%arg6 : memref<64xf32, #tpu.memory_space<hbm>>) target(%arg13 : memref<64xf32, #tpu.memory_space<vmem>>) target_semaphore(%arg17 : memref<!tpu.dma_semaphore, #tpu.memory_space<semaphore_mem>>)
    tpu.enqueue_dma source(%arg7 : memref<16xf32, #tpu.memory_space<hbm>>) target(%arg14 : memref<16xf32, #tpu.memory_space<vmem>>) target_semaphore(%arg17 : memref<!tpu.dma_semaphore, #tpu.memory_space<semaphore_mem>>)
    %dma_wait3A = arith.constant 0 : i32
    %dma_wait3A_14 = tpu.memref_slice %arg2[%mul3A_4, %dma_wait3A] : memref<256x64xi32, #tpu.memory_space<hbm>> -> memref<8x64xi32, #tpu.memory_space<hbm>>
    %dma_wait3A_15 = arith.constant 0 : i32
    %dma_wait3A_16 = tpu.memref_slice %arg2[%mul3A_4, %dma_wait3A_15] : memref<256x64xi32, #tpu.memory_space<hbm>> -> memref<8x64xi32, #tpu.memory_space<hbm>>
    tpu.wait_dma2 semaphore(%arg17 : memref<!tpu.dma_semaphore, #tpu.memory_space<semaphore_mem>>) src(%dma_wait3A_16 : memref<8x64xi32, #tpu.memory_space<hbm>>) dst(%arg9 : memref<8x64xi32, #tpu.memory_space<vmem>>)
    %dma_wait3A_17 = arith.constant 0 : i32
    %dma_wait3A_18 = tpu.memref_slice %arg3[%mul3A_9, %dma_wait3A_17] : memref<256x64xi32, #tpu.memory_space<hbm>> -> memref<8x64xi32, #tpu.memory_space<hbm>>
    %dma_wait3A_19 = arith.constant 0 : i32
    %dma_wait3A_20 = tpu.memref_slice %arg3[%mul3A_9, %dma_wait3A_19] : memref<256x64xi32, #tpu.memory_space<hbm>> -> memref<8x64xi32, #tpu.memory_space<hbm>>
    tpu.wait_dma2 semaphore(%arg17 : memref<!tpu.dma_semaphore, #tpu.memory_space<semaphore_mem>>) src(%dma_wait3A_20 : memref<8x64xi32, #tpu.memory_space<hbm>>) dst(%arg10 : memref<8x64xi32, #tpu.memory_space<vmem>>)
    tpu.wait_dma2 semaphore(%arg17 : memref<!tpu.dma_semaphore, #tpu.memory_space<semaphore_mem>>) src(%arg6 : memref<64xf32, #tpu.memory_space<hbm>>) dst(%arg13 : memref<64xf32, #tpu.memory_space<vmem>>)
    tpu.wait_dma2 semaphore(%arg17 : memref<!tpu.dma_semaphore, #tpu.memory_space<semaphore_mem>>) src(%arg7 : memref<16xf32, #tpu.memory_space<hbm>>) dst(%arg14 : memref<16xf32, #tpu.memory_space<vmem>>)
    %get3A = arith.constant 0 : index
    %get3A_21 = tpu.vector_load %arg13[%get3A] {strides = array<i32>} : memref<64xf32, #tpu.memory_space<vmem>>, vector<16xf32>,
    %get3A_22 = arith.constant 16 : index
    %get3A_23 = tpu.vector_load %arg13[%get3A_22] {strides = array<i32>} : memref<64xf32, #tpu.memory_space<vmem>>, vector<16xf32>,
    %get3A_24 = arith.constant 32 : index
    %get3A_25 = tpu.vector_load %arg13[%get3A_24] {strides = array<i32>} : memref<64xf32, #tpu.memory_space<vmem>>, vector<16xf32>,
    %get3A_26 = arith.constant 48 : index
    %get3A_27 = tpu.vector_load %arg13[%get3A_26] {strides = array<i32>} : memref<64xf32, #tpu.memory_space<vmem>>, vector<16xf32>,
    %get3A_28 = arith.constant 0 : index
    %get3A_29 = tpu.vector_load %arg14[%get3A_28] {strides = array<i32>} : memref<16xf32, #tpu.memory_space<vmem>>, vector<16xf32>,
    %broadcast_in_dim3A = arith.constant 15 : i32
    %broadcast_in_dim3A_30 = vector.broadcast %broadcast_in_dim3A : i32 to vector<16xi32>
    %dma_start3A_31 = arith.constant 0 : i32
    %dma_start3A_32 = arith.constant 0 : i32
    %dma_start3A_33 = arith.constant 0 : i32
    %dma_start3A_34 = tpu.memref_slice %arg11[%dma_start3A_32, %dma_start3A_33] : memref<128x128xf32, #tpu.memory_space<vmem>> -> memref<64x128xf32, #tpu.memory_space<vmem>>
    %dma_start3A_35 = arith.constant 0 : i32
    %dma_start3A_36 = tpu.memref_slice %arg9[%dma_start3A_31, %dma_start3A_35] : memref<8x64xi32, #tpu.memory_space<vmem>> -> memref<1x64xi32, #tpu.memory_space<vmem>>
    %dma_start3A_37 = tpu.memref_squeeze %dma_start3A_36 : memref<1x64xi32, #tpu.memory_space<vmem>> -> memref<64xi32, #tpu.memory_space<vmem>>
    %dma_start3A_38 = arith.constant 0 : i32
    %dma_start3A_39 = arith.constant 0 : i32
    %dma_start3A_40 = tpu.memref_slice %arg4[%dma_start3A_38, %dma_start3A_39] : memref<100000x128xf32, #tpu.memory_space<hbm>> -> memref<100000x128xf32, #tpu.memory_space<hbm>>
    tpu.enqueue_indirect_dma source(%dma_start3A_40 : memref<100000x128xf32, #tpu.memory_space<hbm>>) target(%dma_start3A_34 : memref<64x128xf32, #tpu.memory_space<vmem>>) offsets(%dma_start3A_37 : memref<64xi32, #tpu.memory_space<vmem>>) semaphore(%arg18 : memref<!tpu.dma_semaphore, #tpu.memory_space<semaphore_mem>>)
    %dma_start3A_41 = arith.constant 0 : i32
    %dma_start3A_42 = arith.constant 0 : i32
    %dma_start3A_43 = arith.constant 0 : i32
    %dma_start3A_44 = tpu.memref_slice %arg12[%dma_start3A_42, %dma_start3A_43] : memref<128x128xf32, #tpu.memory_space<vmem>> -> memref<64x128xf32, #tpu.memory_space<vmem>>
    %dma_start3A_45 = arith.constant 0 : i32
    %dma_start3A_46 = tpu.memref_slice %arg10[%dma_start3A_41, %dma_start3A_45] : memref<8x64xi32, #tpu.memory_space<vmem>> -> memref<1x64xi32, #tpu.memory_space<vmem>>
    %dma_start3A_47 = tpu.memref_squeeze %dma_start3A_46 : memref<1x64xi32, #tpu.memory_space<vmem>> -> memref<64xi32, #tpu.memory_space<vmem>>
    %dma_start3A_48 = arith.constant 0 : i32
    %dma_start3A_49 = arith.constant 0 : i32
    %dma_start3A_50 = tpu.memref_slice %arg5[%dma_start3A_48, %dma_start3A_49] : memref<100000x128xf32, #tpu.memory_space<hbm>> -> memref<100000x128xf32, #tpu.memory_space<hbm>>
    tpu.enqueue_indirect_dma source(%dma_start3A_50 : memref<100000x128xf32, #tpu.memory_space<hbm>>) target(%dma_start3A_44 : memref<64x128xf32, #tpu.memory_space<vmem>>) offsets(%dma_start3A_47 : memref<64xi32, #tpu.memory_space<vmem>>) semaphore(%arg18 : memref<!tpu.dma_semaphore, #tpu.memory_space<semaphore_mem>>)
    %dma_start3A_51 = arith.constant 1 : i32
    %dma_start3A_52 = arith.constant 64 : i32
    %dma_start3A_53 = arith.constant 0 : i32
    %dma_start3A_54 = tpu.memref_slice %arg11[%dma_start3A_52, %dma_start3A_53] : memref<128x128xf32, #tpu.memory_space<vmem>> -> memref<64x128xf32, #tpu.memory_space<vmem>>
    %dma_start3A_55 = arith.constant 0 : i32
    %dma_start3A_56 = tpu.memref_slice %arg9[%dma_start3A_51, %dma_start3A_55] : memref<8x64xi32, #tpu.memory_space<vmem>> -> memref<1x64xi32, #tpu.memory_space<vmem>>
    %dma_start3A_57 = tpu.memref_squeeze %dma_start3A_56 : memref<1x64xi32, #tpu.memory_space<vmem>> -> memref<64xi32, #tpu.memory_space<vmem>>
    %dma_start3A_58 = arith.constant 0 : i32
    %dma_start3A_59 = arith.constant 0 : i32
    %dma_start3A_60 = tpu.memref_slice %arg4[%dma_start3A_58, %dma_start3A_59] : memref<100000x128xf32, #tpu.memory_space<hbm>> -> memref<100000x128xf32, #tpu.memory_space<hbm>>
    tpu.enqueue_indirect_dma source(%dma_start3A_60 : memref<100000x128xf32, #tpu.memory_space<hbm>>) target(%dma_start3A_54 : memref<64x128xf32, #tpu.memory_space<vmem>>) offsets(%dma_start3A_57 : memref<64xi32, #tpu.memory_space<vmem>>) semaphore(%arg19 : memref<!tpu.dma_semaphore, #tpu.memory_space<semaphore_mem>>)
    %dma_start3A_61 = arith.constant 1 : i32
    %dma_start3A_62 = arith.constant 64 : i32
    %dma_start3A_63 = arith.constant 0 : i32
    %dma_start3A_64 = tpu.memref_slice %arg12[%dma_start3A_62, %dma_start3A_63] : memref<128x128xf32, #tpu.memory_space<vmem>> -> memref<64x128xf32, #tpu.memory_space<vmem>>
    %dma_start3A_65 = arith.constant 0 : i32
    %dma_start3A_66 = tpu.memref_slice %arg10[%dma_start3A_61, %dma_start3A_65] : memref<8x64xi32, #tpu.memory_space<vmem>> -> memref<1x64xi32, #tpu.memory_space<vmem>>
    %dma_start3A_67 = tpu.memref_squeeze %dma_start3A_66 : memref<1x64xi32, #tpu.memory_space<vmem>> -> memref<64xi32, #tpu.memory_space<vmem>>
    %dma_start3A_68 = arith.constant 0 : i32
    %dma_start3A_69 = arith.constant 0 : i32
    %dma_start3A_70 = tpu.memref_slice %arg5[%dma_start3A_68, %dma_start3A_69] : memref<100000x128xf32, #tpu.memory_space<hbm>> -> memref<100000x128xf32, #tpu.memory_space<hbm>>
    tpu.enqueue_indirect_dma source(%dma_start3A_70 : memref<100000x128xf32, #tpu.memory_space<hbm>>) target(%dma_start3A_64 : memref<64x128xf32, #tpu.memory_space<vmem>>) offsets(%dma_start3A_67 : memref<64xi32, #tpu.memory_space<vmem>>) semaphore(%arg19 : memref<!tpu.dma_semaphore, #tpu.memory_space<semaphore_mem>>)
    %dma_wait3A_71 = arith.constant 0 : i32
    %dma_wait3A_72 = arith.constant 0 : i32
    %dma_wait3A_73 = arith.constant 0 : i32
    %dma_wait3A_74 = tpu.memref_slice %arg11[%dma_wait3A_72, %dma_wait3A_73] : memref<128x128xf32, #tpu.memory_space<vmem>> -> memref<64x128xf32, #tpu.memory_space<vmem>>
    %dma_wait3A_75 = arith.constant 0 : i32
    %dma_wait3A_76 = tpu.memref_slice %arg9[%dma_wait3A_71, %dma_wait3A_75] : memref<8x64xi32, #tpu.memory_space<vmem>> -> memref<1x64xi32, #tpu.memory_space<vmem>>
    %dma_wait3A_77 = tpu.memref_squeeze %dma_wait3A_76 : memref<1x64xi32, #tpu.memory_space<vmem>> -> memref<64xi32, #tpu.memory_space<vmem>>
    %dma_wait3A_78 = arith.constant 0 : i32
    %dma_wait3A_79 = arith.constant 0 : i32
    %dma_wait3A_80 = tpu.memref_slice %arg4[%dma_wait3A_78, %dma_wait3A_79] : memref<100000x128xf32, #tpu.memory_space<hbm>> -> memref<100000x128xf32, #tpu.memory_space<hbm>>
    tpu.wait_indirect_dma semaphore(%arg18 : memref<!tpu.dma_semaphore, #tpu.memory_space<semaphore_mem>>) src(%dma_wait3A_80 : memref<100000x128xf32, #tpu.memory_space<hbm>>) dst(%dma_wait3A_74 : memref<64x128xf32, #tpu.memory_space<vmem>>)
    %dma_wait3A_81 = arith.constant 0 : i32
    %dma_wait3A_82 = arith.constant 0 : i32
    %dma_wait3A_83 = arith.constant 0 : i32
    %dma_wait3A_84 = tpu.memref_slice %arg12[%dma_wait3A_82, %dma_wait3A_83] : memref<128x128xf32, #tpu.memory_space<vmem>> -> memref<64x128xf32, #tpu.memory_space<vmem>>
    %dma_wait3A_85 = arith.constant 0 : i32
    %dma_wait3A_86 = tpu.memref_slice %arg10[%dma_wait3A_81, %dma_wait3A_85] : memref<8x64xi32, #tpu.memory_space<vmem>> -> memref<1x64xi32, #tpu.memory_space<vmem>>
    %dma_wait3A_87 = tpu.memref_squeeze %dma_wait3A_86 : memref<1x64xi32, #tpu.memory_space<vmem>> -> memref<64xi32, #tpu.memory_space<vmem>>
    %dma_wait3A_88 = arith.constant 0 : i32
    %dma_wait3A_89 = arith.constant 0 : i32
    %dma_wait3A_90 = tpu.memref_slice %arg5[%dma_wait3A_88, %dma_wait3A_89] : memref<100000x128xf32, #tpu.memory_space<hbm>> -> memref<100000x128xf32, #tpu.memory_space<hbm>>
    tpu.wait_indirect_dma semaphore(%arg18 : memref<!tpu.dma_semaphore, #tpu.memory_space<semaphore_mem>>) src(%dma_wait3A_90 : memref<100000x128xf32, #tpu.memory_space<hbm>>) dst(%dma_wait3A_84 : memref<64x128xf32, #tpu.memory_space<vmem>>)
    %scan3A = arith.constant 0 : i32
    %scan3A_91 = arith.constant 0 : i32
    %scan3A_92 = arith.constant 32 : i32
    %scan3A_93 = arith.addi %scan3A_91, %scan3A_92 : i32
    %scan3A_94 = arith.constant 1 : i32
    scf.for %scan3A_404 = %scan3A_91 to %scan3A_93 step %scan3A_94  : i32 {
      %mul3A_405 = arith.constant 2 : i32
      %mul3A_406 = arith.muli %scan3A_404, %mul3A_405 : i32
      %add3A_407 = arith.constant 0 : i32
      %add3A_408 = arith.addi %mul3A_406, %add3A_407 : i32
      %add3A_409 = arith.constant 0 : i32
      %add3A_410 = arith.addi %add3A_409, %add3A_408 : i32
      %get3A_411 = arith.index_cast %add3A_410 : i32 to index
      %get3A_412 = arith.constant 0 : index
      %get3A_413 = tpu.vector_load %arg11[%get3A_411, %get3A_412] {strides = array<i32>} : memref<128x128xf32, #tpu.memory_space<vmem>>, vector<16xf32>,
      %get3A_414 = arith.index_cast %add3A_410 : i32 to index
      %get3A_415 = arith.constant 0 : index
      %get3A_416 = tpu.vector_load %arg12[%get3A_414, %get3A_415] {strides = array<i32>} : memref<128x128xf32, #tpu.memory_space<vmem>>, vector<16xf32>,
      %mul3A_417 = arith.mulf %get3A_413, %get3A_416 : vector<16xf32>
      %mul3A_418 = arith.mulf %mul3A_417, %get3A_21 : vector<16xf32>
      %get3A_419 = arith.index_cast %add3A_410 : i32 to index
      %get3A_420 = arith.constant 16 : index
      %get3A_421 = tpu.vector_load %arg11[%get3A_419, %get3A_420] {strides = array<i32>} : memref<128x128xf32, #tpu.memory_space<vmem>>, vector<16xf32>,
      %get3A_422 = arith.index_cast %add3A_410 : i32 to index
      %get3A_423 = arith.constant 16 : index
      %get3A_424 = tpu.vector_load %arg12[%get3A_422, %get3A_423] {strides = array<i32>} : memref<128x128xf32, #tpu.memory_space<vmem>>, vector<16xf32>,
      %mul3A_425 = arith.mulf %get3A_421, %get3A_424 : vector<16xf32>
      %mul3A_426 = arith.mulf %mul3A_425, %get3A_23 : vector<16xf32>
      %add3A_427 = arith.addf %mul3A_418, %mul3A_426 : vector<16xf32>
      %get3A_428 = arith.index_cast %add3A_410 : i32 to index
      %get3A_429 = arith.constant 32 : index
      %get3A_430 = tpu.vector_load %arg11[%get3A_428, %get3A_429] {strides = array<i32>} : memref<128x128xf32, #tpu.memory_space<vmem>>, vector<16xf32>,
      %get3A_431 = arith.index_cast %add3A_410 : i32 to index
      %get3A_432 = arith.constant 32 : index
      %get3A_433 = tpu.vector_load %arg12[%get3A_431, %get3A_432] {strides = array<i32>} : memref<128x128xf32, #tpu.memory_space<vmem>>, vector<16xf32>,
      %mul3A_434 = arith.mulf %get3A_430, %get3A_433 : vector<16xf32>
      %mul3A_435 = arith.mulf %mul3A_434, %get3A_25 : vector<16xf32>
      %add3A_436 = arith.addf %add3A_427, %mul3A_435 : vector<16xf32>
      %get3A_437 = arith.index_cast %add3A_410 : i32 to index
      %get3A_438 = arith.constant 48 : index
      %get3A_439 = tpu.vector_load %arg11[%get3A_437, %get3A_438] {strides = array<i32>} : memref<128x128xf32, #tpu.memory_space<vmem>>, vector<16xf32>,
      %get3A_440 = arith.index_cast %add3A_410 : i32 to index
      %get3A_441 = arith.constant 48 : index
      %get3A_442 = tpu.vector_load %arg12[%get3A_440, %get3A_441] {strides = array<i32>} : memref<128x128xf32, #tpu.memory_space<vmem>>, vector<16xf32>,
      %mul3A_443 = arith.mulf %get3A_439, %get3A_442 : vector<16xf32>
      %mul3A_444 = arith.mulf %mul3A_443, %get3A_27 : vector<16xf32>
      %add3A_445 = arith.addf %add3A_436, %mul3A_444 : vector<16xf32>
      %broadcast_in_dim3A_446 = arith.constant true
      %broadcast_in_dim3A_447 = vector.broadcast %broadcast_in_dim3A_446 : i1 to vector<16xi1>
      %masked_cumsum3A = tpu.scan <sum>, %add3A_445 masked %broadcast_in_dim3A_447 : vector<16xf32>, vector<16xi1> -> vector<16xf32>
      %add3A_448 = arith.constant 0 : i32
      %add3A_449 = arith.addi %add3A_448, %add3A_408 : i32
      %swap3A = arith.index_cast %add3A_449 : i32 to index
      %swap3A_450 = arith.constant 0 : index
      %swap3A_451 = tpu.vector_load %arg15[%swap3A, %swap3A_450] {strides = array<i32>} : memref<512x16xf32, #tpu.memory_space<vmem>>, vector<16xf32>,
      tpu.vector_store %arg15[%swap3A, %swap3A_450], %masked_cumsum3A {strides = array<i32>} : memref<512x16xf32, #tpu.memory_space<vmem>>, vector<16xf32>,
      %mul3A_452 = arith.constant 2 : i32
      %mul3A_453 = arith.muli %scan3A_404, %mul3A_452 : i32
      %add3A_454 = arith.constant 1 : i32
      %add3A_455 = arith.addi %mul3A_453, %add3A_454 : i32
      %add3A_456 = arith.constant 0 : i32
      %add3A_457 = arith.addi %add3A_456, %add3A_455 : i32
      %get3A_458 = arith.index_cast %add3A_457 : i32 to index
      %get3A_459 = arith.constant 0 : index
      %get3A_460 = tpu.vector_load %arg11[%get3A_458, %get3A_459] {strides = array<i32>} : memref<128x128xf32, #tpu.memory_space<vmem>>, vector<16xf32>,
      %get3A_461 = arith.index_cast %add3A_457 : i32 to index
      %get3A_462 = arith.constant 0 : index
      %get3A_463 = tpu.vector_load %arg12[%get3A_461, %get3A_462] {strides = array<i32>} : memref<128x128xf32, #tpu.memory_space<vmem>>, vector<16xf32>,
      %mul3A_464 = arith.mulf %get3A_460, %get3A_463 : vector<16xf32>
      %mul3A_465 = arith.mulf %mul3A_464, %get3A_21 : vector<16xf32>
      %get3A_466 = arith.index_cast %add3A_457 : i32 to index
      %get3A_467 = arith.constant 16 : index
      %get3A_468 = tpu.vector_load %arg11[%get3A_466, %get3A_467] {strides = array<i32>} : memref<128x128xf32, #tpu.memory_space<vmem>>, vector<16xf32>,
      %get3A_469 = arith.index_cast %add3A_457 : i32 to index
      %get3A_470 = arith.constant 16 : index
      %get3A_471 = tpu.vector_load %arg12[%get3A_469, %get3A_470] {strides = array<i32>} : memref<128x128xf32, #tpu.memory_space<vmem>>, vector<16xf32>,
      %mul3A_472 = arith.mulf %get3A_468, %get3A_471 : vector<16xf32>
      %mul3A_473 = arith.mulf %mul3A_472, %get3A_23 : vector<16xf32>
      %add3A_474 = arith.addf %mul3A_465, %mul3A_473 : vector<16xf32>
      %get3A_475 = arith.index_cast %add3A_457 : i32 to index
      %get3A_476 = arith.constant 32 : index
      %get3A_477 = tpu.vector_load %arg11[%get3A_475, %get3A_476] {strides = array<i32>} : memref<128x128xf32, #tpu.memory_space<vmem>>, vector<16xf32>,
      %get3A_478 = arith.index_cast %add3A_457 : i32 to index
      %get3A_479 = arith.constant 32 : index
      %get3A_480 = tpu.vector_load %arg12[%get3A_478, %get3A_479] {strides = array<i32>} : memref<128x128xf32, #tpu.memory_space<vmem>>, vector<16xf32>,
      %mul3A_481 = arith.mulf %get3A_477, %get3A_480 : vector<16xf32>
      %mul3A_482 = arith.mulf %mul3A_481, %get3A_25 : vector<16xf32>
      %add3A_483 = arith.addf %add3A_474, %mul3A_482 : vector<16xf32>
      %get3A_484 = arith.index_cast %add3A_457 : i32 to index
      %get3A_485 = arith.constant 48 : index
      %get3A_486 = tpu.vector_load %arg11[%get3A_484, %get3A_485] {strides = array<i32>} : memref<128x128xf32, #tpu.memory_space<vmem>>, vector<16xf32>,
      %get3A_487 = arith.index_cast %add3A_457 : i32 to index
      %get3A_488 = arith.constant 48 : index
      %get3A_489 = tpu.vector_load %arg12[%get3A_487, %get3A_488] {strides = array<i32>} : memref<128x128xf32, #tpu.memory_space<vmem>>, vector<16xf32>,
      %mul3A_490 = arith.mulf %get3A_486, %get3A_489 : vector<16xf32>
      %mul3A_491 = arith.mulf %mul3A_490, %get3A_27 : vector<16xf32>
      %add3A_492 = arith.addf %add3A_483, %mul3A_491 : vector<16xf32>
      %broadcast_in_dim3A_493 = arith.constant true
      %broadcast_in_dim3A_494 = vector.broadcast %broadcast_in_dim3A_493 : i1 to vector<16xi1>
      %masked_cumsum3A_495 = tpu.scan <sum>, %add3A_492 masked %broadcast_in_dim3A_494 : vector<16xf32>, vector<16xi1> -> vector<16xf32>
      %add3A_496 = arith.constant 0 : i32
      %add3A_497 = arith.addi %add3A_496, %add3A_455 : i32
      %swap3A_498 = arith.index_cast %add3A_497 : i32 to index
      %swap3A_499 = arith.constant 0 : index
      %swap3A_500 = tpu.vector_load %arg15[%swap3A_498, %swap3A_499] {strides = array<i32>} : memref<512x16xf32, #tpu.memory_space<vmem>>, vector<16xf32>,
      tpu.vector_store %arg15[%swap3A_498, %swap3A_499], %masked_cumsum3A_495 {strides = array<i32>} : memref<512x16xf32, #tpu.memory_space<vmem>>, vector<16xf32>,
    }
    %scan3A_95 = arith.constant 32 : i32
    %dma_start3A_96 = arith.constant 2 : i32
    %dma_start3A_97 = arith.constant 0 : i32
    %dma_start3A_98 = arith.constant 0 : i32
    %dma_start3A_99 = tpu.memref_slice %arg11[%dma_start3A_97, %dma_start3A_98] : memref<128x128xf32, #tpu.memory_space<vmem>> -> memref<64x128xf32, #tpu.memory_space<vmem>>
    %dma_start3A_100 = arith.constant 0 : i32
    %dma_start3A_101 = tpu.memref_slice %arg9[%dma_start3A_96, %dma_start3A_100] : memref<8x64xi32, #tpu.memory_space<vmem>> -> memref<1x64xi32, #tpu.memory_space<vmem>>
    %dma_start3A_102 = tpu.memref_squeeze %dma_start3A_101 : memref<1x64xi32, #tpu.memory_space<vmem>> -> memref<64xi32, #tpu.memory_space<vmem>>
    %dma_start3A_103 = arith.constant 0 : i32
    %dma_start3A_104 = arith.constant 0 : i32
    %dma_start3A_105 = tpu.memref_slice %arg4[%dma_start3A_103, %dma_start3A_104] : memref<100000x128xf32, #tpu.memory_space<hbm>> -> memref<100000x128xf32, #tpu.memory_space<hbm>>
    tpu.enqueue_indirect_dma source(%dma_start3A_105 : memref<100000x128xf32, #tpu.memory_space<hbm>>) target(%dma_start3A_99 : memref<64x128xf32, #tpu.memory_space<vmem>>) offsets(%dma_start3A_102 : memref<64xi32, #tpu.memory_space<vmem>>) semaphore(%arg20 : memref<!tpu.dma_semaphore, #tpu.memory_space<semaphore_mem>>)
    %dma_start3A_106 = arith.constant 2 : i32
    %dma_start3A_107 = arith.constant 0 : i32
    %dma_start3A_108 = arith.constant 0 : i32
    %dma_start3A_109 = tpu.memref_slice %arg12[%dma_start3A_107, %dma_start3A_108] : memref<128x128xf32, #tpu.memory_space<vmem>> -> memref<64x128xf32, #tpu.memory_space<vmem>>
    %dma_start3A_110 = arith.constant 0 : i32
    %dma_start3A_111 = tpu.memref_slice %arg10[%dma_start3A_106, %dma_start3A_110] : memref<8x64xi32, #tpu.memory_space<vmem>> -> memref<1x64xi32, #tpu.memory_space<vmem>>
    %dma_start3A_112 = tpu.memref_squeeze %dma_start3A_111 : memref<1x64xi32, #tpu.memory_space<vmem>> -> memref<64xi32, #tpu.memory_space<vmem>>
    %dma_start3A_113 = arith.constant 0 : i32
    %dma_start3A_114 = arith.constant 0 : i32
    %dma_start3A_115 = tpu.memref_slice %arg5[%dma_start3A_113, %dma_start3A_114] : memref<100000x128xf32, #tpu.memory_space<hbm>> -> memref<100000x128xf32, #tpu.memory_space<hbm>>
    tpu.enqueue_indirect_dma source(%dma_start3A_115 : memref<100000x128xf32, #tpu.memory_space<hbm>>) target(%dma_start3A_109 : memref<64x128xf32, #tpu.memory_space<vmem>>) offsets(%dma_start3A_112 : memref<64xi32, #tpu.memory_space<vmem>>) semaphore(%arg20 : memref<!tpu.dma_semaphore, #tpu.memory_space<semaphore_mem>>)
    %dma_wait3A_116 = arith.constant 1 : i32
    %dma_wait3A_117 = arith.constant 64 : i32
    %dma_wait3A_118 = arith.constant 0 : i32
    %dma_wait3A_119 = tpu.memref_slice %arg11[%dma_wait3A_117, %dma_wait3A_118] : memref<128x128xf32, #tpu.memory_space<vmem>> -> memref<64x128xf32, #tpu.memory_space<vmem>>
    %dma_wait3A_120 = arith.constant 0 : i32
    %dma_wait3A_121 = tpu.memref_slice %arg9[%dma_wait3A_116, %dma_wait3A_120] : memref<8x64xi32, #tpu.memory_space<vmem>> -> memref<1x64xi32, #tpu.memory_space<vmem>>
    %dma_wait3A_122 = tpu.memref_squeeze %dma_wait3A_121 : memref<1x64xi32, #tpu.memory_space<vmem>> -> memref<64xi32, #tpu.memory_space<vmem>>
    %dma_wait3A_123 = arith.constant 0 : i32
    %dma_wait3A_124 = arith.constant 0 : i32
    %dma_wait3A_125 = tpu.memref_slice %arg4[%dma_wait3A_123, %dma_wait3A_124] : memref<100000x128xf32, #tpu.memory_space<hbm>> -> memref<100000x128xf32, #tpu.memory_space<hbm>>
    tpu.wait_indirect_dma semaphore(%arg19 : memref<!tpu.dma_semaphore, #tpu.memory_space<semaphore_mem>>) src(%dma_wait3A_125 : memref<100000x128xf32, #tpu.memory_space<hbm>>) dst(%dma_wait3A_119 : memref<64x128xf32, #tpu.memory_space<vmem>>)
    %dma_wait3A_126 = arith.constant 1 : i32
    %dma_wait3A_127 = arith.constant 64 : i32
    %dma_wait3A_128 = arith.constant 0 : i32
    %dma_wait3A_129 = tpu.memref_slice %arg12[%dma_wait3A_127, %dma_wait3A_128] : memref<128x128xf32, #tpu.memory_space<vmem>> -> memref<64x128xf32, #tpu.memory_space<vmem>>
    %dma_wait3A_130 = arith.constant 0 : i32
    %dma_wait3A_131 = tpu.memref_slice %arg10[%dma_wait3A_126, %dma_wait3A_130] : memref<8x64xi32, #tpu.memory_space<vmem>> -> memref<1x64xi32, #tpu.memory_space<vmem>>
    %dma_wait3A_132 = tpu.memref_squeeze %dma_wait3A_131 : memref<1x64xi32, #tpu.memory_space<vmem>> -> memref<64xi32, #tpu.memory_space<vmem>>
    %dma_wait3A_133 = arith.constant 0 : i32
    %dma_wait3A_134 = arith.constant 0 : i32
    %dma_wait3A_135 = tpu.memref_slice %arg5[%dma_wait3A_133, %dma_wait3A_134] : memref<100000x128xf32, #tpu.memory_space<hbm>> -> memref<100000x128xf32, #tpu.memory_space<hbm>>
    tpu.wait_indirect_dma semaphore(%arg19 : memref<!tpu.dma_semaphore, #tpu.memory_space<semaphore_mem>>) src(%dma_wait3A_135 : memref<100000x128xf32, #tpu.memory_space<hbm>>) dst(%dma_wait3A_129 : memref<64x128xf32, #tpu.memory_space<vmem>>)
    %scan3A_136 = arith.constant 0 : i32
    %scan3A_137 = arith.constant 0 : i32
    %scan3A_138 = arith.constant 32 : i32
    %scan3A_139 = arith.addi %scan3A_137, %scan3A_138 : i32
    %scan3A_140 = arith.constant 1 : i32
    scf.for %scan3A_404 = %scan3A_137 to %scan3A_139 step %scan3A_140  : i32 {
      %mul3A_405 = arith.constant 2 : i32
      %mul3A_406 = arith.muli %scan3A_404, %mul3A_405 : i32
      %add3A_407 = arith.constant 0 : i32
      %add3A_408 = arith.addi %mul3A_406, %add3A_407 : i32
      %add3A_409 = arith.constant 64 : i32
      %add3A_410 = arith.addi %add3A_409, %add3A_408 : i32
      %get3A_411 = arith.index_cast %add3A_410 : i32 to index
      %get3A_412 = arith.constant 0 : index
      %get3A_413 = tpu.vector_load %arg11[%get3A_411, %get3A_412] {strides = array<i32>} : memref<128x128xf32, #tpu.memory_space<vmem>>, vector<16xf32>,
      %get3A_414 = arith.index_cast %add3A_410 : i32 to index
      %get3A_415 = arith.constant 0 : index
      %get3A_416 = tpu.vector_load %arg12[%get3A_414, %get3A_415] {strides = array<i32>} : memref<128x128xf32, #tpu.memory_space<vmem>>, vector<16xf32>,
      %mul3A_417 = arith.mulf %get3A_413, %get3A_416 : vector<16xf32>
      %mul3A_418 = arith.mulf %mul3A_417, %get3A_21 : vector<16xf32>
      %get3A_419 = arith.index_cast %add3A_410 : i32 to index
      %get3A_420 = arith.constant 16 : index
      %get3A_421 = tpu.vector_load %arg11[%get3A_419, %get3A_420] {strides = array<i32>} : memref<128x128xf32, #tpu.memory_space<vmem>>, vector<16xf32>,
      %get3A_422 = arith.index_cast %add3A_410 : i32 to index
      %get3A_423 = arith.constant 16 : index
      %get3A_424 = tpu.vector_load %arg12[%get3A_422, %get3A_423] {strides = array<i32>} : memref<128x128xf32, #tpu.memory_space<vmem>>, vector<16xf32>,
      %mul3A_425 = arith.mulf %get3A_421, %get3A_424 : vector<16xf32>
      %mul3A_426 = arith.mulf %mul3A_425, %get3A_23 : vector<16xf32>
      %add3A_427 = arith.addf %mul3A_418, %mul3A_426 : vector<16xf32>
      %get3A_428 = arith.index_cast %add3A_410 : i32 to index
      %get3A_429 = arith.constant 32 : index
      %get3A_430 = tpu.vector_load %arg11[%get3A_428, %get3A_429] {strides = array<i32>} : memref<128x128xf32, #tpu.memory_space<vmem>>, vector<16xf32>,
      %get3A_431 = arith.index_cast %add3A_410 : i32 to index
      %get3A_432 = arith.constant 32 : index
      %get3A_433 = tpu.vector_load %arg12[%get3A_431, %get3A_432] {strides = array<i32>} : memref<128x128xf32, #tpu.memory_space<vmem>>, vector<16xf32>,
      %mul3A_434 = arith.mulf %get3A_430, %get3A_433 : vector<16xf32>
      %mul3A_435 = arith.mulf %mul3A_434, %get3A_25 : vector<16xf32>
      %add3A_436 = arith.addf %add3A_427, %mul3A_435 : vector<16xf32>
      %get3A_437 = arith.index_cast %add3A_410 : i32 to index
      %get3A_438 = arith.constant 48 : index
      %get3A_439 = tpu.vector_load %arg11[%get3A_437, %get3A_438] {strides = array<i32>} : memref<128x128xf32, #tpu.memory_space<vmem>>, vector<16xf32>,
      %get3A_440 = arith.index_cast %add3A_410 : i32 to index
      %get3A_441 = arith.constant 48 : index
      %get3A_442 = tpu.vector_load %arg12[%get3A_440, %get3A_441] {strides = array<i32>} : memref<128x128xf32, #tpu.memory_space<vmem>>, vector<16xf32>,
      %mul3A_443 = arith.mulf %get3A_439, %get3A_442 : vector<16xf32>
      %mul3A_444 = arith.mulf %mul3A_443, %get3A_27 : vector<16xf32>
      %add3A_445 = arith.addf %add3A_436, %mul3A_444 : vector<16xf32>
      %broadcast_in_dim3A_446 = arith.constant true
      %broadcast_in_dim3A_447 = vector.broadcast %broadcast_in_dim3A_446 : i1 to vector<16xi1>
      %masked_cumsum3A = tpu.scan <sum>, %add3A_445 masked %broadcast_in_dim3A_447 : vector<16xf32>, vector<16xi1> -> vector<16xf32>
      %add3A_448 = arith.constant 64 : i32
      %add3A_449 = arith.addi %add3A_448, %add3A_408 : i32
      %swap3A = arith.index_cast %add3A_449 : i32 to index
      %swap3A_450 = arith.constant 0 : index
      %swap3A_451 = tpu.vector_load %arg15[%swap3A, %swap3A_450] {strides = array<i32>} : memref<512x16xf32, #tpu.memory_space<vmem>>, vector<16xf32>,
      tpu.vector_store %arg15[%swap3A, %swap3A_450], %masked_cumsum3A {strides = array<i32>} : memref<512x16xf32, #tpu.memory_space<vmem>>, vector<16xf32>,
      %mul3A_452 = arith.constant 2 : i32
      %mul3A_453 = arith.muli %scan3A_404, %mul3A_452 : i32
      %add3A_454 = arith.constant 1 : i32
      %add3A_455 = arith.addi %mul3A_453, %add3A_454 : i32
      %add3A_456 = arith.constant 64 : i32
      %add3A_457 = arith.addi %add3A_456, %add3A_455 : i32
      %get3A_458 = arith.index_cast %add3A_457 : i32 to index
      %get3A_459 = arith.constant 0 : index
      %get3A_460 = tpu.vector_load %arg11[%get3A_458, %get3A_459] {strides = array<i32>} : memref<128x128xf32, #tpu.memory_space<vmem>>, vector<16xf32>,
      %get3A_461 = arith.index_cast %add3A_457 : i32 to index
      %get3A_462 = arith.constant 0 : index
      %get3A_463 = tpu.vector_load %arg12[%get3A_461, %get3A_462] {strides = array<i32>} : memref<128x128xf32, #tpu.memory_space<vmem>>, vector<16xf32>,
      %mul3A_464 = arith.mulf %get3A_460, %get3A_463 : vector<16xf32>
      %mul3A_465 = arith.mulf %mul3A_464, %get3A_21 : vector<16xf32>
      %get3A_466 = arith.index_cast %add3A_457 : i32 to index
      %get3A_467 = arith.constant 16 : index
      %get3A_468 = tpu.vector_load %arg11[%get3A_466, %get3A_467] {strides = array<i32>} : memref<128x128xf32, #tpu.memory_space<vmem>>, vector<16xf32>,
      %get3A_469 = arith.index_cast %add3A_457 : i32 to index
      %get3A_470 = arith.constant 16 : index
      %get3A_471 = tpu.vector_load %arg12[%get3A_469, %get3A_470] {strides = array<i32>} : memref<128x128xf32, #tpu.memory_space<vmem>>, vector<16xf32>,
      %mul3A_472 = arith.mulf %get3A_468, %get3A_471 : vector<16xf32>
      %mul3A_473 = arith.mulf %mul3A_472, %get3A_23 : vector<16xf32>
      %add3A_474 = arith.addf %mul3A_465, %mul3A_473 : vector<16xf32>
      %get3A_475 = arith.index_cast %add3A_457 : i32 to index
      %get3A_476 = arith.constant 32 : index
      %get3A_477 = tpu.vector_load %arg11[%get3A_475, %get3A_476] {strides = array<i32>} : memref<128x128xf32, #tpu.memory_space<vmem>>, vector<16xf32>,
      %get3A_478 = arith.index_cast %add3A_457 : i32 to index
      %get3A_479 = arith.constant 32 : index
      %get3A_480 = tpu.vector_load %arg12[%get3A_478, %get3A_479] {strides = array<i32>} : memref<128x128xf32, #tpu.memory_space<vmem>>, vector<16xf32>,
      %mul3A_481 = arith.mulf %get3A_477, %get3A_480 : vector<16xf32>
      %mul3A_482 = arith.mulf %mul3A_481, %get3A_25 : vector<16xf32>
      %add3A_483 = arith.addf %add3A_474, %mul3A_482 : vector<16xf32>
      %get3A_484 = arith.index_cast %add3A_457 : i32 to index
      %get3A_485 = arith.constant 48 : index
      %get3A_486 = tpu.vector_load %arg11[%get3A_484, %get3A_485] {strides = array<i32>} : memref<128x128xf32, #tpu.memory_space<vmem>>, vector<16xf32>,
      %get3A_487 = arith.index_cast %add3A_457 : i32 to index
      %get3A_488 = arith.constant 48 : index
      %get3A_489 = tpu.vector_load %arg12[%get3A_487, %get3A_488] {strides = array<i32>} : memref<128x128xf32, #tpu.memory_space<vmem>>, vector<16xf32>,
      %mul3A_490 = arith.mulf %get3A_486, %get3A_489 : vector<16xf32>
      %mul3A_491 = arith.mulf %mul3A_490, %get3A_27 : vector<16xf32>
      %add3A_492 = arith.addf %add3A_483, %mul3A_491 : vector<16xf32>
      %broadcast_in_dim3A_493 = arith.constant true
      %broadcast_in_dim3A_494 = vector.broadcast %broadcast_in_dim3A_493 : i1 to vector<16xi1>
      %masked_cumsum3A_495 = tpu.scan <sum>, %add3A_492 masked %broadcast_in_dim3A_494 : vector<16xf32>, vector<16xi1> -> vector<16xf32>
      %add3A_496 = arith.constant 64 : i32
      %add3A_497 = arith.addi %add3A_496, %add3A_455 : i32
      %swap3A_498 = arith.index_cast %add3A_497 : i32 to index
      %swap3A_499 = arith.constant 0 : index
      %swap3A_500 = tpu.vector_load %arg15[%swap3A_498, %swap3A_499] {strides = array<i32>} : memref<512x16xf32, #tpu.memory_space<vmem>>, vector<16xf32>,
      tpu.vector_store %arg15[%swap3A_498, %swap3A_499], %masked_cumsum3A_495 {strides = array<i32>} : memref<512x16xf32, #tpu.memory_space<vmem>>, vector<16xf32>,
    }
    %scan3A_141 = arith.constant 32 : i32
    %dma_start3A_142 = arith.constant 3 : i32
    %dma_start3A_143 = arith.constant 64 : i32
    %dma_start3A_144 = arith.constant 0 : i32
    %dma_start3A_145 = tpu.memref_slice %arg11[%dma_start3A_143, %dma_start3A_144] : memref<128x128xf32, #tpu.memory_space<vmem>> -> memref<64x128xf32, #tpu.memory_space<vmem>>
    %dma_start3A_146 = arith.constant 0 : i32
    %dma_start3A_147 = tpu.memref_slice %arg9[%dma_start3A_142, %dma_start3A_146] : memref<8x64xi32, #tpu.memory_space<vmem>> -> memref<1x64xi32, #tpu.memory_space<vmem>>
    %dma_start3A_148 = tpu.memref_squeeze %dma_start3A_147 : memref<1x64xi32, #tpu.memory_space<vmem>> -> memref<64xi32, #tpu.memory_space<vmem>>
    %dma_start3A_149 = arith.constant 0 : i32
    %dma_start3A_150 = arith.constant 0 : i32
    %dma_start3A_151 = tpu.memref_slice %arg4[%dma_start3A_149, %dma_start3A_150] : memref<100000x128xf32, #tpu.memory_space<hbm>> -> memref<100000x128xf32, #tpu.memory_space<hbm>>
    tpu.enqueue_indirect_dma source(%dma_start3A_151 : memref<100000x128xf32, #tpu.memory_space<hbm>>) target(%dma_start3A_145 : memref<64x128xf32, #tpu.memory_space<vmem>>) offsets(%dma_start3A_148 : memref<64xi32, #tpu.memory_space<vmem>>) semaphore(%arg21 : memref<!tpu.dma_semaphore, #tpu.memory_space<semaphore_mem>>)
    %dma_start3A_152 = arith.constant 3 : i32
    %dma_start3A_153 = arith.constant 64 : i32
    %dma_start3A_154 = arith.constant 0 : i32
    %dma_start3A_155 = tpu.memref_slice %arg12[%dma_start3A_153, %dma_start3A_154] : memref<128x128xf32, #tpu.memory_space<vmem>> -> memref<64x128xf32, #tpu.memory_space<vmem>>
    %dma_start3A_156 = arith.constant 0 : i32
    %dma_start3A_157 = tpu.memref_slice %arg10[%dma_start3A_152, %dma_start3A_156] : memref<8x64xi32, #tpu.memory_space<vmem>> -> memref<1x64xi32, #tpu.memory_space<vmem>>
    %dma_start3A_158 = tpu.memref_squeeze %dma_start3A_157 : memref<1x64xi32, #tpu.memory_space<vmem>> -> memref<64xi32, #tpu.memory_space<vmem>>
    %dma_start3A_159 = arith.constant 0 : i32
    %dma_start3A_160 = arith.constant 0 : i32
    %dma_start3A_161 = tpu.memref_slice %arg5[%dma_start3A_159, %dma_start3A_160] : memref<100000x128xf32, #tpu.memory_space<hbm>> -> memref<100000x128xf32, #tpu.memory_space<hbm>>
    tpu.enqueue_indirect_dma source(%dma_start3A_161 : memref<100000x128xf32, #tpu.memory_space<hbm>>) target(%dma_start3A_155 : memref<64x128xf32, #tpu.memory_space<vmem>>) offsets(%dma_start3A_158 : memref<64xi32, #tpu.memory_space<vmem>>) semaphore(%arg21 : memref<!tpu.dma_semaphore, #tpu.memory_space<semaphore_mem>>)
    %dma_wait3A_162 = arith.constant 2 : i32
    %dma_wait3A_163 = arith.constant 0 : i32
    %dma_wait3A_164 = arith.constant 0 : i32
    %dma_wait3A_165 = tpu.memref_slice %arg11[%dma_wait3A_163, %dma_wait3A_164] : memref<128x128xf32, #tpu.memory_space<vmem>> -> memref<64x128xf32, #tpu.memory_space<vmem>>
    %dma_wait3A_166 = arith.constant 0 : i32
    %dma_wait3A_167 = tpu.memref_slice %arg9[%dma_wait3A_162, %dma_wait3A_166] : memref<8x64xi32, #tpu.memory_space<vmem>> -> memref<1x64xi32, #tpu.memory_space<vmem>>
    %dma_wait3A_168 = tpu.memref_squeeze %dma_wait3A_167 : memref<1x64xi32, #tpu.memory_space<vmem>> -> memref<64xi32, #tpu.memory_space<vmem>>
    %dma_wait3A_169 = arith.constant 0 : i32
    %dma_wait3A_170 = arith.constant 0 : i32
    %dma_wait3A_171 = tpu.memref_slice %arg4[%dma_wait3A_169, %dma_wait3A_170] : memref<100000x128xf32, #tpu.memory_space<hbm>> -> memref<100000x128xf32, #tpu.memory_space<hbm>>
    tpu.wait_indirect_dma semaphore(%arg20 : memref<!tpu.dma_semaphore, #tpu.memory_space<semaphore_mem>>) src(%dma_wait3A_171 : memref<100000x128xf32, #tpu.memory_space<hbm>>) dst(%dma_wait3A_165 : memref<64x128xf32, #tpu.memory_space<vmem>>)
    %dma_wait3A_172 = arith.constant 2 : i32
    %dma_wait3A_173 = arith.constant 0 : i32
    %dma_wait3A_174 = arith.constant 0 : i32
    %dma_wait3A_175 = tpu.memref_slice %arg12[%dma_wait3A_173, %dma_wait3A_174] : memref<128x128xf32, #tpu.memory_space<vmem>> -> memref<64x128xf32, #tpu.memory_space<vmem>>
    %dma_wait3A_176 = arith.constant 0 : i32
    %dma_wait3A_177 = tpu.memref_slice %arg10[%dma_wait3A_172, %dma_wait3A_176] : memref<8x64xi32, #tpu.memory_space<vmem>> -> memref<1x64xi32, #tpu.memory_space<vmem>>
    %dma_wait3A_178 = tpu.memref_squeeze %dma_wait3A_177 : memref<1x64xi32, #tpu.memory_space<vmem>> -> memref<64xi32, #tpu.memory_space<vmem>>
    %dma_wait3A_179 = arith.constant 0 : i32
    %dma_wait3A_180 = arith.constant 0 : i32
    %dma_wait3A_181 = tpu.memref_slice %arg5[%dma_wait3A_179, %dma_wait3A_180] : memref<100000x128xf32, #tpu.memory_space<hbm>> -> memref<100000x128xf32, #tpu.memory_space<hbm>>
    tpu.wait_indirect_dma semaphore(%arg20 : memref<!tpu.dma_semaphore, #tpu.memory_space<semaphore_mem>>) src(%dma_wait3A_181 : memref<100000x128xf32, #tpu.memory_space<hbm>>) dst(%dma_wait3A_175 : memref<64x128xf32, #tpu.memory_space<vmem>>)
    %scan3A_182 = arith.constant 0 : i32
    %scan3A_183 = arith.constant 0 : i32
    %scan3A_184 = arith.constant 32 : i32
    %scan3A_185 = arith.addi %scan3A_183, %scan3A_184 : i32
    %scan3A_186 = arith.constant 1 : i32
    scf.for %scan3A_404 = %scan3A_183 to %scan3A_185 step %scan3A_186  : i32 {
      %mul3A_405 = arith.constant 2 : i32
      %mul3A_406 = arith.muli %scan3A_404, %mul3A_405 : i32
      %add3A_407 = arith.constant 0 : i32
      %add3A_408 = arith.addi %mul3A_406, %add3A_407 : i32
      %add3A_409 = arith.constant 0 : i32
      %add3A_410 = arith.addi %add3A_409, %add3A_408 : i32
      %get3A_411 = arith.index_cast %add3A_410 : i32 to index
      %get3A_412 = arith.constant 0 : index
      %get3A_413 = tpu.vector_load %arg11[%get3A_411, %get3A_412] {strides = array<i32>} : memref<128x128xf32, #tpu.memory_space<vmem>>, vector<16xf32>,
      %get3A_414 = arith.index_cast %add3A_410 : i32 to index
      %get3A_415 = arith.constant 0 : index
      %get3A_416 = tpu.vector_load %arg12[%get3A_414, %get3A_415] {strides = array<i32>} : memref<128x128xf32, #tpu.memory_space<vmem>>, vector<16xf32>,
      %mul3A_417 = arith.mulf %get3A_413, %get3A_416 : vector<16xf32>
      %mul3A_418 = arith.mulf %mul3A_417, %get3A_21 : vector<16xf32>
      %get3A_419 = arith.index_cast %add3A_410 : i32 to index
      %get3A_420 = arith.constant 16 : index
      %get3A_421 = tpu.vector_load %arg11[%get3A_419, %get3A_420] {strides = array<i32>} : memref<128x128xf32, #tpu.memory_space<vmem>>, vector<16xf32>,
      %get3A_422 = arith.index_cast %add3A_410 : i32 to index
      %get3A_423 = arith.constant 16 : index
      %get3A_424 = tpu.vector_load %arg12[%get3A_422, %get3A_423] {strides = array<i32>} : memref<128x128xf32, #tpu.memory_space<vmem>>, vector<16xf32>,
      %mul3A_425 = arith.mulf %get3A_421, %get3A_424 : vector<16xf32>
      %mul3A_426 = arith.mulf %mul3A_425, %get3A_23 : vector<16xf32>
      %add3A_427 = arith.addf %mul3A_418, %mul3A_426 : vector<16xf32>
      %get3A_428 = arith.index_cast %add3A_410 : i32 to index
      %get3A_429 = arith.constant 32 : index
      %get3A_430 = tpu.vector_load %arg11[%get3A_428, %get3A_429] {strides = array<i32>} : memref<128x128xf32, #tpu.memory_space<vmem>>, vector<16xf32>,
      %get3A_431 = arith.index_cast %add3A_410 : i32 to index
      %get3A_432 = arith.constant 32 : index
      %get3A_433 = tpu.vector_load %arg12[%get3A_431, %get3A_432] {strides = array<i32>} : memref<128x128xf32, #tpu.memory_space<vmem>>, vector<16xf32>,
      %mul3A_434 = arith.mulf %get3A_430, %get3A_433 : vector<16xf32>
      %mul3A_435 = arith.mulf %mul3A_434, %get3A_25 : vector<16xf32>
      %add3A_436 = arith.addf %add3A_427, %mul3A_435 : vector<16xf32>
      %get3A_437 = arith.index_cast %add3A_410 : i32 to index
      %get3A_438 = arith.constant 48 : index
      %get3A_439 = tpu.vector_load %arg11[%get3A_437, %get3A_438] {strides = array<i32>} : memref<128x128xf32, #tpu.memory_space<vmem>>, vector<16xf32>,
      %get3A_440 = arith.index_cast %add3A_410 : i32 to index
      %get3A_441 = arith.constant 48 : index
      %get3A_442 = tpu.vector_load %arg12[%get3A_440, %get3A_441] {strides = array<i32>} : memref<128x128xf32, #tpu.memory_space<vmem>>, vector<16xf32>,
      %mul3A_443 = arith.mulf %get3A_439, %get3A_442 : vector<16xf32>
      %mul3A_444 = arith.mulf %mul3A_443, %get3A_27 : vector<16xf32>
      %add3A_445 = arith.addf %add3A_436, %mul3A_444 : vector<16xf32>
      %broadcast_in_dim3A_446 = arith.constant true
      %broadcast_in_dim3A_447 = vector.broadcast %broadcast_in_dim3A_446 : i1 to vector<16xi1>
      %masked_cumsum3A = tpu.scan <sum>, %add3A_445 masked %broadcast_in_dim3A_447 : vector<16xf32>, vector<16xi1> -> vector<16xf32>
      %add3A_448 = arith.constant 128 : i32
      %add3A_449 = arith.addi %add3A_448, %add3A_408 : i32
      %swap3A = arith.index_cast %add3A_449 : i32 to index
      %swap3A_450 = arith.constant 0 : index
      %swap3A_451 = tpu.vector_load %arg15[%swap3A, %swap3A_450] {strides = array<i32>} : memref<512x16xf32, #tpu.memory_space<vmem>>, vector<16xf32>,
      tpu.vector_store %arg15[%swap3A, %swap3A_450], %masked_cumsum3A {strides = array<i32>} : memref<512x16xf32, #tpu.memory_space<vmem>>, vector<16xf32>,
      %mul3A_452 = arith.constant 2 : i32
      %mul3A_453 = arith.muli %scan3A_404, %mul3A_452 : i32
      %add3A_454 = arith.constant 1 : i32
      %add3A_455 = arith.addi %mul3A_453, %add3A_454 : i32
      %add3A_456 = arith.constant 0 : i32
      %add3A_457 = arith.addi %add3A_456, %add3A_455 : i32
      %get3A_458 = arith.index_cast %add3A_457 : i32 to index
      %get3A_459 = arith.constant 0 : index
      %get3A_460 = tpu.vector_load %arg11[%get3A_458, %get3A_459] {strides = array<i32>} : memref<128x128xf32, #tpu.memory_space<vmem>>, vector<16xf32>,
      %get3A_461 = arith.index_cast %add3A_457 : i32 to index
      %get3A_462 = arith.constant 0 : index
      %get3A_463 = tpu.vector_load %arg12[%get3A_461, %get3A_462] {strides = array<i32>} : memref<128x128xf32, #tpu.memory_space<vmem>>, vector<16xf32>,
      %mul3A_464 = arith.mulf %get3A_460, %get3A_463 : vector<16xf32>
      %mul3A_465 = arith.mulf %mul3A_464, %get3A_21 : vector<16xf32>
      %get3A_466 = arith.index_cast %add3A_457 : i32 to index
      %get3A_467 = arith.constant 16 : index
      %get3A_468 = tpu.vector_load %arg11[%get3A_466, %get3A_467] {strides = array<i32>} : memref<128x128xf32, #tpu.memory_space<vmem>>, vector<16xf32>,
      %get3A_469 = arith.index_cast %add3A_457 : i32 to index
      %get3A_470 = arith.constant 16 : index
      %get3A_471 = tpu.vector_load %arg12[%get3A_469, %get3A_470] {strides = array<i32>} : memref<128x128xf32, #tpu.memory_space<vmem>>, vector<16xf32>,
      %mul3A_472 = arith.mulf %get3A_468, %get3A_471 : vector<16xf32>
      %mul3A_473 = arith.mulf %mul3A_472, %get3A_23 : vector<16xf32>
      %add3A_474 = arith.addf %mul3A_465, %mul3A_473 : vector<16xf32>
      %get3A_475 = arith.index_cast %add3A_457 : i32 to index
      %get3A_476 = arith.constant 32 : index
      %get3A_477 = tpu.vector_load %arg11[%get3A_475, %get3A_476] {strides = array<i32>} : memref<128x128xf32, #tpu.memory_space<vmem>>, vector<16xf32>,
      %get3A_478 = arith.index_cast %add3A_457 : i32 to index
      %get3A_479 = arith.constant 32 : index
      %get3A_480 = tpu.vector_load %arg12[%get3A_478, %get3A_479] {strides = array<i32>} : memref<128x128xf32, #tpu.memory_space<vmem>>, vector<16xf32>,
      %mul3A_481 = arith.mulf %get3A_477, %get3A_480 : vector<16xf32>
      %mul3A_482 = arith.mulf %mul3A_481, %get3A_25 : vector<16xf32>
      %add3A_483 = arith.addf %add3A_474, %mul3A_482 : vector<16xf32>
      %get3A_484 = arith.index_cast %add3A_457 : i32 to index
      %get3A_485 = arith.constant 48 : index
      %get3A_486 = tpu.vector_load %arg11[%get3A_484, %get3A_485] {strides = array<i32>} : memref<128x128xf32, #tpu.memory_space<vmem>>, vector<16xf32>,
      %get3A_487 = arith.index_cast %add3A_457 : i32 to index
      %get3A_488 = arith.constant 48 : index
      %get3A_489 = tpu.vector_load %arg12[%get3A_487, %get3A_488] {strides = array<i32>} : memref<128x128xf32, #tpu.memory_space<vmem>>, vector<16xf32>,
      %mul3A_490 = arith.mulf %get3A_486, %get3A_489 : vector<16xf32>
      %mul3A_491 = arith.mulf %mul3A_490, %get3A_27 : vector<16xf32>
      %add3A_492 = arith.addf %add3A_483, %mul3A_491 : vector<16xf32>
      %broadcast_in_dim3A_493 = arith.constant true
      %broadcast_in_dim3A_494 = vector.broadcast %broadcast_in_dim3A_493 : i1 to vector<16xi1>
      %masked_cumsum3A_495 = tpu.scan <sum>, %add3A_492 masked %broadcast_in_dim3A_494 : vector<16xf32>, vector<16xi1> -> vector<16xf32>
      %add3A_496 = arith.constant 128 : i32
      %add3A_497 = arith.addi %add3A_496, %add3A_455 : i32
      %swap3A_498 = arith.index_cast %add3A_497 : i32 to index
      %swap3A_499 = arith.constant 0 : index
      %swap3A_500 = tpu.vector_load %arg15[%swap3A_498, %swap3A_499] {strides = array<i32>} : memref<512x16xf32, #tpu.memory_space<vmem>>, vector<16xf32>,
      tpu.vector_store %arg15[%swap3A_498, %swap3A_499], %masked_cumsum3A_495 {strides = array<i32>} : memref<512x16xf32, #tpu.memory_space<vmem>>, vector<16xf32>,
    }
    %scan3A_187 = arith.constant 32 : i32
    %dma_start3A_188 = arith.constant 4 : i32
    %dma_start3A_189 = arith.constant 0 : i32
    %dma_start3A_190 = arith.constant 0 : i32
    %dma_start3A_191 = tpu.memref_slice %arg11[%dma_start3A_189, %dma_start3A_190] : memref<128x128xf32, #tpu.memory_space<vmem>> -> memref<64x128xf32, #tpu.memory_space<vmem>>
    %dma_start3A_192 = arith.constant 0 : i32
    %dma_start3A_193 = tpu.memref_slice %arg9[%dma_start3A_188, %dma_start3A_192] : memref<8x64xi32, #tpu.memory_space<vmem>> -> memref<1x64xi32, #tpu.memory_space<vmem>>
    %dma_start3A_194 = tpu.memref_squeeze %dma_start3A_193 : memref<1x64xi32, #tpu.memory_space<vmem>> -> memref<64xi32, #tpu.memory_space<vmem>>
    %dma_start3A_195 = arith.constant 0 : i32
    %dma_start3A_196 = arith.constant 0 : i32
    %dma_start3A_197 = tpu.memref_slice %arg4[%dma_start3A_195, %dma_start3A_196] : memref<100000x128xf32, #tpu.memory_space<hbm>> -> memref<100000x128xf32, #tpu.memory_space<hbm>>
    tpu.enqueue_indirect_dma source(%dma_start3A_197 : memref<100000x128xf32, #tpu.memory_space<hbm>>) target(%dma_start3A_191 : memref<64x128xf32, #tpu.memory_space<vmem>>) offsets(%dma_start3A_194 : memref<64xi32, #tpu.memory_space<vmem>>) semaphore(%arg22 : memref<!tpu.dma_semaphore, #tpu.memory_space<semaphore_mem>>)
    %dma_start3A_198 = arith.constant 4 : i32
    %dma_start3A_199 = arith.constant 0 : i32
    %dma_start3A_200 = arith.constant 0 : i32
    %dma_start3A_201 = tpu.memref_slice %arg12[%dma_start3A_199, %dma_start3A_200] : memref<128x128xf32, #tpu.memory_space<vmem>> -> memref<64x128xf32, #tpu.memory_space<vmem>>
    %dma_start3A_202 = arith.constant 0 : i32
    %dma_start3A_203 = tpu.memref_slice %arg10[%dma_start3A_198, %dma_start3A_202] : memref<8x64xi32, #tpu.memory_space<vmem>> -> memref<1x64xi32, #tpu.memory_space<vmem>>
    %dma_start3A_204 = tpu.memref_squeeze %dma_start3A_203 : memref<1x64xi32, #tpu.memory_space<vmem>> -> memref<64xi32, #tpu.memory_space<vmem>>
    %dma_start3A_205 = arith.constant 0 : i32
    %dma_start3A_206 = arith.constant 0 : i32
    %dma_start3A_207 = tpu.memref_slice %arg5[%dma_start3A_205, %dma_start3A_206] : memref<100000x128xf32, #tpu.memory_space<hbm>> -> memref<100000x128xf32, #tpu.memory_space<hbm>>
    tpu.enqueue_indirect_dma source(%dma_start3A_207 : memref<100000x128xf32, #tpu.memory_space<hbm>>) target(%dma_start3A_201 : memref<64x128xf32, #tpu.memory_space<vmem>>) offsets(%dma_start3A_204 : memref<64xi32, #tpu.memory_space<vmem>>) semaphore(%arg22 : memref<!tpu.dma_semaphore, #tpu.memory_space<semaphore_mem>>)
    %dma_wait3A_208 = arith.constant 3 : i32
    %dma_wait3A_209 = arith.constant 64 : i32
    %dma_wait3A_210 = arith.constant 0 : i32
    %dma_wait3A_211 = tpu.memref_slice %arg11[%dma_wait3A_209, %dma_wait3A_210] : memref<128x128xf32, #tpu.memory_space<vmem>> -> memref<64x128xf32, #tpu.memory_space<vmem>>
    %dma_wait3A_212 = arith.constant 0 : i32
    %dma_wait3A_213 = tpu.memref_slice %arg9[%dma_wait3A_208, %dma_wait3A_212] : memref<8x64xi32, #tpu.memory_space<vmem>> -> memref<1x64xi32, #tpu.memory_space<vmem>>
    %dma_wait3A_214 = tpu.memref_squeeze %dma_wait3A_213 : memref<1x64xi32, #tpu.memory_space<vmem>> -> memref<64xi32, #tpu.memory_space<vmem>>
    %dma_wait3A_215 = arith.constant 0 : i32
    %dma_wait3A_216 = arith.constant 0 : i32
    %dma_wait3A_217 = tpu.memref_slice %arg4[%dma_wait3A_215, %dma_wait3A_216] : memref<100000x128xf32, #tpu.memory_space<hbm>> -> memref<100000x128xf32, #tpu.memory_space<hbm>>
    tpu.wait_indirect_dma semaphore(%arg21 : memref<!tpu.dma_semaphore, #tpu.memory_space<semaphore_mem>>) src(%dma_wait3A_217 : memref<100000x128xf32, #tpu.memory_space<hbm>>) dst(%dma_wait3A_211 : memref<64x128xf32, #tpu.memory_space<vmem>>)
    %dma_wait3A_218 = arith.constant 3 : i32
    %dma_wait3A_219 = arith.constant 64 : i32
    %dma_wait3A_220 = arith.constant 0 : i32
    %dma_wait3A_221 = tpu.memref_slice %arg12[%dma_wait3A_219, %dma_wait3A_220] : memref<128x128xf32, #tpu.memory_space<vmem>> -> memref<64x128xf32, #tpu.memory_space<vmem>>
    %dma_wait3A_222 = arith.constant 0 : i32
    %dma_wait3A_223 = tpu.memref_slice %arg10[%dma_wait3A_218, %dma_wait3A_222] : memref<8x64xi32, #tpu.memory_space<vmem>> -> memref<1x64xi32, #tpu.memory_space<vmem>>
    %dma_wait3A_224 = tpu.memref_squeeze %dma_wait3A_223 : memref<1x64xi32, #tpu.memory_space<vmem>> -> memref<64xi32, #tpu.memory_space<vmem>>
    %dma_wait3A_225 = arith.constant 0 : i32
    %dma_wait3A_226 = arith.constant 0 : i32
    %dma_wait3A_227 = tpu.memref_slice %arg5[%dma_wait3A_225, %dma_wait3A_226] : memref<100000x128xf32, #tpu.memory_space<hbm>> -> memref<100000x128xf32, #tpu.memory_space<hbm>>
    tpu.wait_indirect_dma semaphore(%arg21 : memref<!tpu.dma_semaphore, #tpu.memory_space<semaphore_mem>>) src(%dma_wait3A_227 : memref<100000x128xf32, #tpu.memory_space<hbm>>) dst(%dma_wait3A_221 : memref<64x128xf32, #tpu.memory_space<vmem>>)
    %scan3A_228 = arith.constant 0 : i32
    %scan3A_229 = arith.constant 0 : i32
    %scan3A_230 = arith.constant 32 : i32
    %scan3A_231 = arith.addi %scan3A_229, %scan3A_230 : i32
    %scan3A_232 = arith.constant 1 : i32
    scf.for %scan3A_404 = %scan3A_229 to %scan3A_231 step %scan3A_232  : i32 {
      %mul3A_405 = arith.constant 2 : i32
      %mul3A_406 = arith.muli %scan3A_404, %mul3A_405 : i32
      %add3A_407 = arith.constant 0 : i32
      %add3A_408 = arith.addi %mul3A_406, %add3A_407 : i32
      %add3A_409 = arith.constant 64 : i32
      %add3A_410 = arith.addi %add3A_409, %add3A_408 : i32
      %get3A_411 = arith.index_cast %add3A_410 : i32 to index
      %get3A_412 = arith.constant 0 : index
      %get3A_413 = tpu.vector_load %arg11[%get3A_411, %get3A_412] {strides = array<i32>} : memref<128x128xf32, #tpu.memory_space<vmem>>, vector<16xf32>,
      %get3A_414 = arith.index_cast %add3A_410 : i32 to index
      %get3A_415 = arith.constant 0 : index
      %get3A_416 = tpu.vector_load %arg12[%get3A_414, %get3A_415] {strides = array<i32>} : memref<128x128xf32, #tpu.memory_space<vmem>>, vector<16xf32>,
      %mul3A_417 = arith.mulf %get3A_413, %get3A_416 : vector<16xf32>
      %mul3A_418 = arith.mulf %mul3A_417, %get3A_21 : vector<16xf32>
      %get3A_419 = arith.index_cast %add3A_410 : i32 to index
      %get3A_420 = arith.constant 16 : index
      %get3A_421 = tpu.vector_load %arg11[%get3A_419, %get3A_420] {strides = array<i32>} : memref<128x128xf32, #tpu.memory_space<vmem>>, vector<16xf32>,
      %get3A_422 = arith.index_cast %add3A_410 : i32 to index
      %get3A_423 = arith.constant 16 : index
      %get3A_424 = tpu.vector_load %arg12[%get3A_422, %get3A_423] {strides = array<i32>} : memref<128x128xf32, #tpu.memory_space<vmem>>, vector<16xf32>,
      %mul3A_425 = arith.mulf %get3A_421, %get3A_424 : vector<16xf32>
      %mul3A_426 = arith.mulf %mul3A_425, %get3A_23 : vector<16xf32>
      %add3A_427 = arith.addf %mul3A_418, %mul3A_426 : vector<16xf32>
      %get3A_428 = arith.index_cast %add3A_410 : i32 to index
      %get3A_429 = arith.constant 32 : index
      %get3A_430 = tpu.vector_load %arg11[%get3A_428, %get3A_429] {strides = array<i32>} : memref<128x128xf32, #tpu.memory_space<vmem>>, vector<16xf32>,
      %get3A_431 = arith.index_cast %add3A_410 : i32 to index
      %get3A_432 = arith.constant 32 : index
      %get3A_433 = tpu.vector_load %arg12[%get3A_431, %get3A_432] {strides = array<i32>} : memref<128x128xf32, #tpu.memory_space<vmem>>, vector<16xf32>,
      %mul3A_434 = arith.mulf %get3A_430, %get3A_433 : vector<16xf32>
      %mul3A_435 = arith.mulf %mul3A_434, %get3A_25 : vector<16xf32>
      %add3A_436 = arith.addf %add3A_427, %mul3A_435 : vector<16xf32>
      %get3A_437 = arith.index_cast %add3A_410 : i32 to index
      %get3A_438 = arith.constant 48 : index
      %get3A_439 = tpu.vector_load %arg11[%get3A_437, %get3A_438] {strides = array<i32>} : memref<128x128xf32, #tpu.memory_space<vmem>>, vector<16xf32>,
      %get3A_440 = arith.index_cast %add3A_410 : i32 to index
      %get3A_441 = arith.constant 48 : index
      %get3A_442 = tpu.vector_load %arg12[%get3A_440, %get3A_441] {strides = array<i32>} : memref<128x128xf32, #tpu.memory_space<vmem>>, vector<16xf32>,
      %mul3A_443 = arith.mulf %get3A_439, %get3A_442 : vector<16xf32>
      %mul3A_444 = arith.mulf %mul3A_443, %get3A_27 : vector<16xf32>
      %add3A_445 = arith.addf %add3A_436, %mul3A_444 : vector<16xf32>
      %broadcast_in_dim3A_446 = arith.constant true
      %broadcast_in_dim3A_447 = vector.broadcast %broadcast_in_dim3A_446 : i1 to vector<16xi1>
      %masked_cumsum3A = tpu.scan <sum>, %add3A_445 masked %broadcast_in_dim3A_447 : vector<16xf32>, vector<16xi1> -> vector<16xf32>
      %add3A_448 = arith.constant 192 : i32
      %add3A_449 = arith.addi %add3A_448, %add3A_408 : i32
      %swap3A = arith.index_cast %add3A_449 : i32 to index
      %swap3A_450 = arith.constant 0 : index
      %swap3A_451 = tpu.vector_load %arg15[%swap3A, %swap3A_450] {strides = array<i32>} : memref<512x16xf32, #tpu.memory_space<vmem>>, vector<16xf32>,
      tpu.vector_store %arg15[%swap3A, %swap3A_450], %masked_cumsum3A {strides = array<i32>} : memref<512x16xf32, #tpu.memory_space<vmem>>, vector<16xf32>,
      %mul3A_452 = arith.constant 2 : i32
      %mul3A_453 = arith.muli %scan3A_404, %mul3A_452 : i32
      %add3A_454 = arith.constant 1 : i32
      %add3A_455 = arith.addi %mul3A_453, %add3A_454 : i32
      %add3A_456 = arith.constant 64 : i32
      %add3A_457 = arith.addi %add3A_456, %add3A_455 : i32
      %get3A_458 = arith.index_cast %add3A_457 : i32 to index
      %get3A_459 = arith.constant 0 : index
      %get3A_460 = tpu.vector_load %arg11[%get3A_458, %get3A_459] {strides = array<i32>} : memref<128x128xf32, #tpu.memory_space<vmem>>, vector<16xf32>,
      %get3A_461 = arith.index_cast %add3A_457 : i32 to index
      %get3A_462 = arith.constant 0 : index
      %get3A_463 = tpu.vector_load %arg12[%get3A_461, %get3A_462] {strides = array<i32>} : memref<128x128xf32, #tpu.memory_space<vmem>>, vector<16xf32>,
      %mul3A_464 = arith.mulf %get3A_460, %get3A_463 : vector<16xf32>
      %mul3A_465 = arith.mulf %mul3A_464, %get3A_21 : vector<16xf32>
      %get3A_466 = arith.index_cast %add3A_457 : i32 to index
      %get3A_467 = arith.constant 16 : index
      %get3A_468 = tpu.vector_load %arg11[%get3A_466, %get3A_467] {strides = array<i32>} : memref<128x128xf32, #tpu.memory_space<vmem>>, vector<16xf32>,
      %get3A_469 = arith.index_cast %add3A_457 : i32 to index
      %get3A_470 = arith.constant 16 : index
      %get3A_471 = tpu.vector_load %arg12[%get3A_469, %get3A_470] {strides = array<i32>} : memref<128x128xf32, #tpu.memory_space<vmem>>, vector<16xf32>,
      %mul3A_472 = arith.mulf %get3A_468, %get3A_471 : vector<16xf32>
      %mul3A_473 = arith.mulf %mul3A_472, %get3A_23 : vector<16xf32>
      %add3A_474 = arith.addf %mul3A_465, %mul3A_473 : vector<16xf32>
      %get3A_475 = arith.index_cast %add3A_457 : i32 to index
      %get3A_476 = arith.constant 32 : index
      %get3A_477 = tpu.vector_load %arg11[%get3A_475, %get3A_476] {strides = array<i32>} : memref<128x128xf32, #tpu.memory_space<vmem>>, vector<16xf32>,
      %get3A_478 = arith.index_cast %add3A_457 : i32 to index
      %get3A_479 = arith.constant 32 : index
      %get3A_480 = tpu.vector_load %arg12[%get3A_478, %get3A_479] {strides = array<i32>} : memref<128x128xf32, #tpu.memory_space<vmem>>, vector<16xf32>,
      %mul3A_481 = arith.mulf %get3A_477, %get3A_480 : vector<16xf32>
      %mul3A_482 = arith.mulf %mul3A_481, %get3A_25 : vector<16xf32>
      %add3A_483 = arith.addf %add3A_474, %mul3A_482 : vector<16xf32>
      %get3A_484 = arith.index_cast %add3A_457 : i32 to index
      %get3A_485 = arith.constant 48 : index
      %get3A_486 = tpu.vector_load %arg11[%get3A_484, %get3A_485] {strides = array<i32>} : memref<128x128xf32, #tpu.memory_space<vmem>>, vector<16xf32>,
      %get3A_487 = arith.index_cast %add3A_457 : i32 to index
      %get3A_488 = arith.constant 48 : index
      %get3A_489 = tpu.vector_load %arg12[%get3A_487, %get3A_488] {strides = array<i32>} : memref<128x128xf32, #tpu.memory_space<vmem>>, vector<16xf32>,
      %mul3A_490 = arith.mulf %get3A_486, %get3A_489 : vector<16xf32>
      %mul3A_491 = arith.mulf %mul3A_490, %get3A_27 : vector<16xf32>
      %add3A_492 = arith.addf %add3A_483, %mul3A_491 : vector<16xf32>
      %broadcast_in_dim3A_493 = arith.constant true
      %broadcast_in_dim3A_494 = vector.broadcast %broadcast_in_dim3A_493 : i1 to vector<16xi1>
      %masked_cumsum3A_495 = tpu.scan <sum>, %add3A_492 masked %broadcast_in_dim3A_494 : vector<16xf32>, vector<16xi1> -> vector<16xf32>
      %add3A_496 = arith.constant 192 : i32
      %add3A_497 = arith.addi %add3A_496, %add3A_455 : i32
      %swap3A_498 = arith.index_cast %add3A_497 : i32 to index
      %swap3A_499 = arith.constant 0 : index
      %swap3A_500 = tpu.vector_load %arg15[%swap3A_498, %swap3A_499] {strides = array<i32>} : memref<512x16xf32, #tpu.memory_space<vmem>>, vector<16xf32>,
      tpu.vector_store %arg15[%swap3A_498, %swap3A_499], %masked_cumsum3A_495 {strides = array<i32>} : memref<512x16xf32, #tpu.memory_space<vmem>>, vector<16xf32>,
    }
    %scan3A_233 = arith.constant 32 : i32
    %dma_start3A_234 = arith.constant 5 : i32
    %dma_start3A_235 = arith.constant 64 : i32
    %dma_start3A_236 = arith.constant 0 : i32
    %dma_start3A_237 = tpu.memref_slice %arg11[%dma_start3A_235, %dma_start3A_236] : memref<128x128xf32, #tpu.memory_space<vmem>> -> memref<64x128xf32, #tpu.memory_space<vmem>>
    %dma_start3A_238 = arith.constant 0 : i32
    %dma_start3A_239 = tpu.memref_slice %arg9[%dma_start3A_234, %dma_start3A_238] : memref<8x64xi32, #tpu.memory_space<vmem>> -> memref<1x64xi32, #tpu.memory_space<vmem>>
    %dma_start3A_240 = tpu.memref_squeeze %dma_start3A_239 : memref<1x64xi32, #tpu.memory_space<vmem>> -> memref<64xi32, #tpu.memory_space<vmem>>
    %dma_start3A_241 = arith.constant 0 : i32
    %dma_start3A_242 = arith.constant 0 : i32
    %dma_start3A_243 = tpu.memref_slice %arg4[%dma_start3A_241, %dma_start3A_242] : memref<100000x128xf32, #tpu.memory_space<hbm>> -> memref<100000x128xf32, #tpu.memory_space<hbm>>
    tpu.enqueue_indirect_dma source(%dma_start3A_243 : memref<100000x128xf32, #tpu.memory_space<hbm>>) target(%dma_start3A_237 : memref<64x128xf32, #tpu.memory_space<vmem>>) offsets(%dma_start3A_240 : memref<64xi32, #tpu.memory_space<vmem>>) semaphore(%arg23 : memref<!tpu.dma_semaphore, #tpu.memory_space<semaphore_mem>>)
    %dma_start3A_244 = arith.constant 5 : i32
    %dma_start3A_245 = arith.constant 64 : i32
    %dma_start3A_246 = arith.constant 0 : i32
    %dma_start3A_247 = tpu.memref_slice %arg12[%dma_start3A_245, %dma_start3A_246] : memref<128x128xf32, #tpu.memory_space<vmem>> -> memref<64x128xf32, #tpu.memory_space<vmem>>
    %dma_start3A_248 = arith.constant 0 : i32
    %dma_start3A_249 = tpu.memref_slice %arg10[%dma_start3A_244, %dma_start3A_248] : memref<8x64xi32, #tpu.memory_space<vmem>> -> memref<1x64xi32, #tpu.memory_space<vmem>>
    %dma_start3A_250 = tpu.memref_squeeze %dma_start3A_249 : memref<1x64xi32, #tpu.memory_space<vmem>> -> memref<64xi32, #tpu.memory_space<vmem>>
    %dma_start3A_251 = arith.constant 0 : i32
    %dma_start3A_252 = arith.constant 0 : i32
    %dma_start3A_253 = tpu.memref_slice %arg5[%dma_start3A_251, %dma_start3A_252] : memref<100000x128xf32, #tpu.memory_space<hbm>> -> memref<100000x128xf32, #tpu.memory_space<hbm>>
    tpu.enqueue_indirect_dma source(%dma_start3A_253 : memref<100000x128xf32, #tpu.memory_space<hbm>>) target(%dma_start3A_247 : memref<64x128xf32, #tpu.memory_space<vmem>>) offsets(%dma_start3A_250 : memref<64xi32, #tpu.memory_space<vmem>>) semaphore(%arg23 : memref<!tpu.dma_semaphore, #tpu.memory_space<semaphore_mem>>)
    %dma_wait3A_254 = arith.constant 4 : i32
    %dma_wait3A_255 = arith.constant 0 : i32
    %dma_wait3A_256 = arith.constant 0 : i32
    %dma_wait3A_257 = tpu.memref_slice %arg11[%dma_wait3A_255, %dma_wait3A_256] : memref<128x128xf32, #tpu.memory_space<vmem>> -> memref<64x128xf32, #tpu.memory_space<vmem>>
    %dma_wait3A_258 = arith.constant 0 : i32
    %dma_wait3A_259 = tpu.memref_slice %arg9[%dma_wait3A_254, %dma_wait3A_258] : memref<8x64xi32, #tpu.memory_space<vmem>> -> memref<1x64xi32, #tpu.memory_space<vmem>>
    %dma_wait3A_260 = tpu.memref_squeeze %dma_wait3A_259 : memref<1x64xi32, #tpu.memory_space<vmem>> -> memref<64xi32, #tpu.memory_space<vmem>>
    %dma_wait3A_261 = arith.constant 0 : i32
    %dma_wait3A_262 = arith.constant 0 : i32
    %dma_wait3A_263 = tpu.memref_slice %arg4[%dma_wait3A_261, %dma_wait3A_262] : memref<100000x128xf32, #tpu.memory_space<hbm>> -> memref<100000x128xf32, #tpu.memory_space<hbm>>
    tpu.wait_indirect_dma semaphore(%arg22 : memref<!tpu.dma_semaphore, #tpu.memory_space<semaphore_mem>>) src(%dma_wait3A_263 : memref<100000x128xf32, #tpu.memory_space<hbm>>) dst(%dma_wait3A_257 : memref<64x128xf32, #tpu.memory_space<vmem>>)
    %dma_wait3A_264 = arith.constant 4 : i32
    %dma_wait3A_265 = arith.constant 0 : i32
    %dma_wait3A_266 = arith.constant 0 : i32
    %dma_wait3A_267 = tpu.memref_slice %arg12[%dma_wait3A_265, %dma_wait3A_266] : memref<128x128xf32, #tpu.memory_space<vmem>> -> memref<64x128xf32, #tpu.memory_space<vmem>>
    %dma_wait3A_268 = arith.constant 0 : i32
    %dma_wait3A_269 = tpu.memref_slice %arg10[%dma_wait3A_264, %dma_wait3A_268] : memref<8x64xi32, #tpu.memory_space<vmem>> -> memref<1x64xi32, #tpu.memory_space<vmem>>
    %dma_wait3A_270 = tpu.memref_squeeze %dma_wait3A_269 : memref<1x64xi32, #tpu.memory_space<vmem>> -> memref<64xi32, #tpu.memory_space<vmem>>
    %dma_wait3A_271 = arith.constant 0 : i32
    %dma_wait3A_272 = arith.constant 0 : i32
    %dma_wait3A_273 = tpu.memref_slice %arg5[%dma_wait3A_271, %dma_wait3A_272] : memref<100000x128xf32, #tpu.memory_space<hbm>> -> memref<100000x128xf32, #tpu.memory_space<hbm>>
    tpu.wait_indirect_dma semaphore(%arg22 : memref<!tpu.dma_semaphore, #tpu.memory_space<semaphore_mem>>) src(%dma_wait3A_273 : memref<100000x128xf32, #tpu.memory_space<hbm>>) dst(%dma_wait3A_267 : memref<64x128xf32, #tpu.memory_space<vmem>>)
    %scan3A_274 = arith.constant 0 : i32
    %scan3A_275 = arith.constant 0 : i32
    %scan3A_276 = arith.constant 32 : i32
    %scan3A_277 = arith.addi %scan3A_275, %scan3A_276 : i32
    %scan3A_278 = arith.constant 1 : i32
    scf.for %scan3A_404 = %scan3A_275 to %scan3A_277 step %scan3A_278  : i32 {
      %mul3A_405 = arith.constant 2 : i32
      %mul3A_406 = arith.muli %scan3A_404, %mul3A_405 : i32
      %add3A_407 = arith.constant 0 : i32
      %add3A_408 = arith.addi %mul3A_406, %add3A_407 : i32
      %add3A_409 = arith.constant 0 : i32
      %add3A_410 = arith.addi %add3A_409, %add3A_408 : i32
      %get3A_411 = arith.index_cast %add3A_410 : i32 to index
      %get3A_412 = arith.constant 0 : index
      %get3A_413 = tpu.vector_load %arg11[%get3A_411, %get3A_412] {strides = array<i32>} : memref<128x128xf32, #tpu.memory_space<vmem>>, vector<16xf32>,
      %get3A_414 = arith.index_cast %add3A_410 : i32 to index
      %get3A_415 = arith.constant 0 : index
      %get3A_416 = tpu.vector_load %arg12[%get3A_414, %get3A_415] {strides = array<i32>} : memref<128x128xf32, #tpu.memory_space<vmem>>, vector<16xf32>,
      %mul3A_417 = arith.mulf %get3A_413, %get3A_416 : vector<16xf32>
      %mul3A_418 = arith.mulf %mul3A_417, %get3A_21 : vector<16xf32>
      %get3A_419 = arith.index_cast %add3A_410 : i32 to index
      %get3A_420 = arith.constant 16 : index
      %get3A_421 = tpu.vector_load %arg11[%get3A_419, %get3A_420] {strides = array<i32>} : memref<128x128xf32, #tpu.memory_space<vmem>>, vector<16xf32>,
      %get3A_422 = arith.index_cast %add3A_410 : i32 to index
      %get3A_423 = arith.constant 16 : index
      %get3A_424 = tpu.vector_load %arg12[%get3A_422, %get3A_423] {strides = array<i32>} : memref<128x128xf32, #tpu.memory_space<vmem>>, vector<16xf32>,
      %mul3A_425 = arith.mulf %get3A_421, %get3A_424 : vector<16xf32>
      %mul3A_426 = arith.mulf %mul3A_425, %get3A_23 : vector<16xf32>
      %add3A_427 = arith.addf %mul3A_418, %mul3A_426 : vector<16xf32>
      %get3A_428 = arith.index_cast %add3A_410 : i32 to index
      %get3A_429 = arith.constant 32 : index
      %get3A_430 = tpu.vector_load %arg11[%get3A_428, %get3A_429] {strides = array<i32>} : memref<128x128xf32, #tpu.memory_space<vmem>>, vector<16xf32>,
      %get3A_431 = arith.index_cast %add3A_410 : i32 to index
      %get3A_432 = arith.constant 32 : index
      %get3A_433 = tpu.vector_load %arg12[%get3A_431, %get3A_432] {strides = array<i32>} : memref<128x128xf32, #tpu.memory_space<vmem>>, vector<16xf32>,
      %mul3A_434 = arith.mulf %get3A_430, %get3A_433 : vector<16xf32>
      %mul3A_435 = arith.mulf %mul3A_434, %get3A_25 : vector<16xf32>
      %add3A_436 = arith.addf %add3A_427, %mul3A_435 : vector<16xf32>
      %get3A_437 = arith.index_cast %add3A_410 : i32 to index
      %get3A_438 = arith.constant 48 : index
      %get3A_439 = tpu.vector_load %arg11[%get3A_437, %get3A_438] {strides = array<i32>} : memref<128x128xf32, #tpu.memory_space<vmem>>, vector<16xf32>,
      %get3A_440 = arith.index_cast %add3A_410 : i32 to index
      %get3A_441 = arith.constant 48 : index
      %get3A_442 = tpu.vector_load %arg12[%get3A_440, %get3A_441] {strides = array<i32>} : memref<128x128xf32, #tpu.memory_space<vmem>>, vector<16xf32>,
      %mul3A_443 = arith.mulf %get3A_439, %get3A_442 : vector<16xf32>
      %mul3A_444 = arith.mulf %mul3A_443, %get3A_27 : vector<16xf32>
      %add3A_445 = arith.addf %add3A_436, %mul3A_444 : vector<16xf32>
      %broadcast_in_dim3A_446 = arith.constant true
      %broadcast_in_dim3A_447 = vector.broadcast %broadcast_in_dim3A_446 : i1 to vector<16xi1>
      %masked_cumsum3A = tpu.scan <sum>, %add3A_445 masked %broadcast_in_dim3A_447 : vector<16xf32>, vector<16xi1> -> vector<16xf32>
      %add3A_448 = arith.constant 256 : i32
      %add3A_449 = arith.addi %add3A_448, %add3A_408 : i32
      %swap3A = arith.index_cast %add3A_449 : i32 to index
      %swap3A_450 = arith.constant 0 : index
      %swap3A_451 = tpu.vector_load %arg15[%swap3A, %swap3A_450] {strides = array<i32>} : memref<512x16xf32, #tpu.memory_space<vmem>>, vector<16xf32>,
      tpu.vector_store %arg15[%swap3A, %swap3A_450], %masked_cumsum3A {strides = array<i32>} : memref<512x16xf32, #tpu.memory_space<vmem>>, vector<16xf32>,
      %mul3A_452 = arith.constant 2 : i32
      %mul3A_453 = arith.muli %scan3A_404, %mul3A_452 : i32
      %add3A_454 = arith.constant 1 : i32
      %add3A_455 = arith.addi %mul3A_453, %add3A_454 : i32
      %add3A_456 = arith.constant 0 : i32
      %add3A_457 = arith.addi %add3A_456, %add3A_455 : i32
      %get3A_458 = arith.index_cast %add3A_457 : i32 to index
      %get3A_459 = arith.constant 0 : index
      %get3A_460 = tpu.vector_load %arg11[%get3A_458, %get3A_459] {strides = array<i32>} : memref<128x128xf32, #tpu.memory_space<vmem>>, vector<16xf32>,
      %get3A_461 = arith.index_cast %add3A_457 : i32 to index
      %get3A_462 = arith.constant 0 : index
      %get3A_463 = tpu.vector_load %arg12[%get3A_461, %get3A_462] {strides = array<i32>} : memref<128x128xf32, #tpu.memory_space<vmem>>, vector<16xf32>,
      %mul3A_464 = arith.mulf %get3A_460, %get3A_463 : vector<16xf32>
      %mul3A_465 = arith.mulf %mul3A_464, %get3A_21 : vector<16xf32>
      %get3A_466 = arith.index_cast %add3A_457 : i32 to index
      %get3A_467 = arith.constant 16 : index
      %get3A_468 = tpu.vector_load %arg11[%get3A_466, %get3A_467] {strides = array<i32>} : memref<128x128xf32, #tpu.memory_space<vmem>>, vector<16xf32>,
      %get3A_469 = arith.index_cast %add3A_457 : i32 to index
      %get3A_470 = arith.constant 16 : index
      %get3A_471 = tpu.vector_load %arg12[%get3A_469, %get3A_470] {strides = array<i32>} : memref<128x128xf32, #tpu.memory_space<vmem>>, vector<16xf32>,
      %mul3A_472 = arith.mulf %get3A_468, %get3A_471 : vector<16xf32>
      %mul3A_473 = arith.mulf %mul3A_472, %get3A_23 : vector<16xf32>
      %add3A_474 = arith.addf %mul3A_465, %mul3A_473 : vector<16xf32>
      %get3A_475 = arith.index_cast %add3A_457 : i32 to index
      %get3A_476 = arith.constant 32 : index
      %get3A_477 = tpu.vector_load %arg11[%get3A_475, %get3A_476] {strides = array<i32>} : memref<128x128xf32, #tpu.memory_space<vmem>>, vector<16xf32>,
      %get3A_478 = arith.index_cast %add3A_457 : i32 to index
      %get3A_479 = arith.constant 32 : index
      %get3A_480 = tpu.vector_load %arg12[%get3A_478, %get3A_479] {strides = array<i32>} : memref<128x128xf32, #tpu.memory_space<vmem>>, vector<16xf32>,
      %mul3A_481 = arith.mulf %get3A_477, %get3A_480 : vector<16xf32>
      %mul3A_482 = arith.mulf %mul3A_481, %get3A_25 : vector<16xf32>
      %add3A_483 = arith.addf %add3A_474, %mul3A_482 : vector<16xf32>
      %get3A_484 = arith.index_cast %add3A_457 : i32 to index
      %get3A_485 = arith.constant 48 : index
      %get3A_486 = tpu.vector_load %arg11[%get3A_484, %get3A_485] {strides = array<i32>} : memref<128x128xf32, #tpu.memory_space<vmem>>, vector<16xf32>,
      %get3A_487 = arith.index_cast %add3A_457 : i32 to index
      %get3A_488 = arith.constant 48 : index
      %get3A_489 = tpu.vector_load %arg12[%get3A_487, %get3A_488] {strides = array<i32>} : memref<128x128xf32, #tpu.memory_space<vmem>>, vector<16xf32>,
      %mul3A_490 = arith.mulf %get3A_486, %get3A_489 : vector<16xf32>
      %mul3A_491 = arith.mulf %mul3A_490, %get3A_27 : vector<16xf32>
      %add3A_492 = arith.addf %add3A_483, %mul3A_491 : vector<16xf32>
      %broadcast_in_dim3A_493 = arith.constant true
      %broadcast_in_dim3A_494 = vector.broadcast %broadcast_in_dim3A_493 : i1 to vector<16xi1>
      %masked_cumsum3A_495 = tpu.scan <sum>, %add3A_492 masked %broadcast_in_dim3A_494 : vector<16xf32>, vector<16xi1> -> vector<16xf32>
      %add3A_496 = arith.constant 256 : i32
      %add3A_497 = arith.addi %add3A_496, %add3A_455 : i32
      %swap3A_498 = arith.index_cast %add3A_497 : i32 to index
      %swap3A_499 = arith.constant 0 : index
      %swap3A_500 = tpu.vector_load %arg15[%swap3A_498, %swap3A_499] {strides = array<i32>} : memref<512x16xf32, #tpu.memory_space<vmem>>, vector<16xf32>,
      tpu.vector_store %arg15[%swap3A_498, %swap3A_499], %masked_cumsum3A_495 {strides = array<i32>} : memref<512x16xf32, #tpu.memory_space<vmem>>, vector<16xf32>,
    }
    %scan3A_279 = arith.constant 32 : i32
    %dma_start3A_280 = arith.constant 6 : i32
    %dma_start3A_281 = arith.constant 0 : i32
    %dma_start3A_282 = arith.constant 0 : i32
    %dma_start3A_283 = tpu.memref_slice %arg11[%dma_start3A_281, %dma_start3A_282] : memref<128x128xf32, #tpu.memory_space<vmem>> -> memref<64x128xf32, #tpu.memory_space<vmem>>
    %dma_start3A_284 = arith.constant 0 : i32
    %dma_start3A_285 = tpu.memref_slice %arg9[%dma_start3A_280, %dma_start3A_284] : memref<8x64xi32, #tpu.memory_space<vmem>> -> memref<1x64xi32, #tpu.memory_space<vmem>>
    %dma_start3A_286 = tpu.memref_squeeze %dma_start3A_285 : memref<1x64xi32, #tpu.memory_space<vmem>> -> memref<64xi32, #tpu.memory_space<vmem>>
    %dma_start3A_287 = arith.constant 0 : i32
    %dma_start3A_288 = arith.constant 0 : i32
    %dma_start3A_289 = tpu.memref_slice %arg4[%dma_start3A_287, %dma_start3A_288] : memref<100000x128xf32, #tpu.memory_space<hbm>> -> memref<100000x128xf32, #tpu.memory_space<hbm>>
    tpu.enqueue_indirect_dma source(%dma_start3A_289 : memref<100000x128xf32, #tpu.memory_space<hbm>>) target(%dma_start3A_283 : memref<64x128xf32, #tpu.memory_space<vmem>>) offsets(%dma_start3A_286 : memref<64xi32, #tpu.memory_space<vmem>>) semaphore(%arg24 : memref<!tpu.dma_semaphore, #tpu.memory_space<semaphore_mem>>)
    %dma_start3A_290 = arith.constant 6 : i32
    %dma_start3A_291 = arith.constant 0 : i32
    %dma_start3A_292 = arith.constant 0 : i32
    %dma_start3A_293 = tpu.memref_slice %arg12[%dma_start3A_291, %dma_start3A_292] : memref<128x128xf32, #tpu.memory_space<vmem>> -> memref<64x128xf32, #tpu.memory_space<vmem>>
    %dma_start3A_294 = arith.constant 0 : i32
    %dma_start3A_295 = tpu.memref_slice %arg10[%dma_start3A_290, %dma_start3A_294] : memref<8x64xi32, #tpu.memory_space<vmem>> -> memref<1x64xi32, #tpu.memory_space<vmem>>
    %dma_start3A_296 = tpu.memref_squeeze %dma_start3A_295 : memref<1x64xi32, #tpu.memory_space<vmem>> -> memref<64xi32, #tpu.memory_space<vmem>>
    %dma_start3A_297 = arith.constant 0 : i32
    %dma_start3A_298 = arith.constant 0 : i32
    %dma_start3A_299 = tpu.memref_slice %arg5[%dma_start3A_297, %dma_start3A_298] : memref<100000x128xf32, #tpu.memory_space<hbm>> -> memref<100000x128xf32, #tpu.memory_space<hbm>>
    tpu.enqueue_indirect_dma source(%dma_start3A_299 : memref<100000x128xf32, #tpu.memory_space<hbm>>) target(%dma_start3A_293 : memref<64x128xf32, #tpu.memory_space<vmem>>) offsets(%dma_start3A_296 : memref<64xi32, #tpu.memory_space<vmem>>) semaphore(%arg24 : memref<!tpu.dma_semaphore, #tpu.memory_space<semaphore_mem>>)
    %dma_wait3A_300 = arith.constant 5 : i32
    %dma_wait3A_301 = arith.constant 64 : i32
    %dma_wait3A_302 = arith.constant 0 : i32
    %dma_wait3A_303 = tpu.memref_slice %arg11[%dma_wait3A_301, %dma_wait3A_302] : memref<128x128xf32, #tpu.memory_space<vmem>> -> memref<64x128xf32, #tpu.memory_space<vmem>>
    %dma_wait3A_304 = arith.constant 0 : i32
    %dma_wait3A_305 = tpu.memref_slice %arg9[%dma_wait3A_300, %dma_wait3A_304] : memref<8x64xi32, #tpu.memory_space<vmem>> -> memref<1x64xi32, #tpu.memory_space<vmem>>
    %dma_wait3A_306 = tpu.memref_squeeze %dma_wait3A_305 : memref<1x64xi32, #tpu.memory_space<vmem>> -> memref<64xi32, #tpu.memory_space<vmem>>
    %dma_wait3A_307 = arith.constant 0 : i32
    %dma_wait3A_308 = arith.constant 0 : i32
    %dma_wait3A_309 = tpu.memref_slice %arg4[%dma_wait3A_307, %dma_wait3A_308] : memref<100000x128xf32, #tpu.memory_space<hbm>> -> memref<100000x128xf32, #tpu.memory_space<hbm>>
    tpu.wait_indirect_dma semaphore(%arg23 : memref<!tpu.dma_semaphore, #tpu.memory_space<semaphore_mem>>) src(%dma_wait3A_309 : memref<100000x128xf32, #tpu.memory_space<hbm>>) dst(%dma_wait3A_303 : memref<64x128xf32, #tpu.memory_space<vmem>>)
    %dma_wait3A_310 = arith.constant 5 : i32
    %dma_wait3A_311 = arith.constant 64 : i32
    %dma_wait3A_312 = arith.constant 0 : i32
    %dma_wait3A_313 = tpu.memref_slice %arg12[%dma_wait3A_311, %dma_wait3A_312] : memref<128x128xf32, #tpu.memory_space<vmem>> -> memref<64x128xf32, #tpu.memory_space<vmem>>
    %dma_wait3A_314 = arith.constant 0 : i32
    %dma_wait3A_315 = tpu.memref_slice %arg10[%dma_wait3A_310, %dma_wait3A_314] : memref<8x64xi32, #tpu.memory_space<vmem>> -> memref<1x64xi32, #tpu.memory_space<vmem>>
    %dma_wait3A_316 = tpu.memref_squeeze %dma_wait3A_315 : memref<1x64xi32, #tpu.memory_space<vmem>> -> memref<64xi32, #tpu.memory_space<vmem>>
    %dma_wait3A_317 = arith.constant 0 : i32
    %dma_wait3A_318 = arith.constant 0 : i32
    %dma_wait3A_319 = tpu.memref_slice %arg5[%dma_wait3A_317, %dma_wait3A_318] : memref<100000x128xf32, #tpu.memory_space<hbm>> -> memref<100000x128xf32, #tpu.memory_space<hbm>>
    tpu.wait_indirect_dma semaphore(%arg23 : memref<!tpu.dma_semaphore, #tpu.memory_space<semaphore_mem>>) src(%dma_wait3A_319 : memref<100000x128xf32, #tpu.memory_space<hbm>>) dst(%dma_wait3A_313 : memref<64x128xf32, #tpu.memory_space<vmem>>)
    %scan3A_320 = arith.constant 0 : i32
    %scan3A_321 = arith.constant 0 : i32
    %scan3A_322 = arith.constant 32 : i32
    %scan3A_323 = arith.addi %scan3A_321, %scan3A_322 : i32
    %scan3A_324 = arith.constant 1 : i32
    scf.for %scan3A_404 = %scan3A_321 to %scan3A_323 step %scan3A_324  : i32 {
      %mul3A_405 = arith.constant 2 : i32
      %mul3A_406 = arith.muli %scan3A_404, %mul3A_405 : i32
      %add3A_407 = arith.constant 0 : i32
      %add3A_408 = arith.addi %mul3A_406, %add3A_407 : i32
      %add3A_409 = arith.constant 64 : i32
      %add3A_410 = arith.addi %add3A_409, %add3A_408 : i32
      %get3A_411 = arith.index_cast %add3A_410 : i32 to index
      %get3A_412 = arith.constant 0 : index
      %get3A_413 = tpu.vector_load %arg11[%get3A_411, %get3A_412] {strides = array<i32>} : memref<128x128xf32, #tpu.memory_space<vmem>>, vector<16xf32>,
      %get3A_414 = arith.index_cast %add3A_410 : i32 to index
      %get3A_415 = arith.constant 0 : index
      %get3A_416 = tpu.vector_load %arg12[%get3A_414, %get3A_415] {strides = array<i32>} : memref<128x128xf32, #tpu.memory_space<vmem>>, vector<16xf32>,
      %mul3A_417 = arith.mulf %get3A_413, %get3A_416 : vector<16xf32>
      %mul3A_418 = arith.mulf %mul3A_417, %get3A_21 : vector<16xf32>
      %get3A_419 = arith.index_cast %add3A_410 : i32 to index
      %get3A_420 = arith.constant 16 : index
      %get3A_421 = tpu.vector_load %arg11[%get3A_419, %get3A_420] {strides = array<i32>} : memref<128x128xf32, #tpu.memory_space<vmem>>, vector<16xf32>,
      %get3A_422 = arith.index_cast %add3A_410 : i32 to index
      %get3A_423 = arith.constant 16 : index
      %get3A_424 = tpu.vector_load %arg12[%get3A_422, %get3A_423] {strides = array<i32>} : memref<128x128xf32, #tpu.memory_space<vmem>>, vector<16xf32>,
      %mul3A_425 = arith.mulf %get3A_421, %get3A_424 : vector<16xf32>
      %mul3A_426 = arith.mulf %mul3A_425, %get3A_23 : vector<16xf32>
      %add3A_427 = arith.addf %mul3A_418, %mul3A_426 : vector<16xf32>
      %get3A_428 = arith.index_cast %add3A_410 : i32 to index
      %get3A_429 = arith.constant 32 : index
      %get3A_430 = tpu.vector_load %arg11[%get3A_428, %get3A_429] {strides = array<i32>} : memref<128x128xf32, #tpu.memory_space<vmem>>, vector<16xf32>,
      %get3A_431 = arith.index_cast %add3A_410 : i32 to index
      %get3A_432 = arith.constant 32 : index
      %get3A_433 = tpu.vector_load %arg12[%get3A_431, %get3A_432] {strides = array<i32>} : memref<128x128xf32, #tpu.memory_space<vmem>>, vector<16xf32>,
      %mul3A_434 = arith.mulf %get3A_430, %get3A_433 : vector<16xf32>
      %mul3A_435 = arith.mulf %mul3A_434, %get3A_25 : vector<16xf32>
      %add3A_436 = arith.addf %add3A_427, %mul3A_435 : vector<16xf32>
      %get3A_437 = arith.index_cast %add3A_410 : i32 to index
      %get3A_438 = arith.constant 48 : index
      %get3A_439 = tpu.vector_load %arg11[%get3A_437, %get3A_438] {strides = array<i32>} : memref<128x128xf32, #tpu.memory_space<vmem>>, vector<16xf32>,
      %get3A_440 = arith.index_cast %add3A_410 : i32 to index
      %get3A_441 = arith.constant 48 : index
      %get3A_442 = tpu.vector_load %arg12[%get3A_440, %get3A_441] {strides = array<i32>} : memref<128x128xf32, #tpu.memory_space<vmem>>, vector<16xf32>,
      %mul3A_443 = arith.mulf %get3A_439, %get3A_442 : vector<16xf32>
      %mul3A_444 = arith.mulf %mul3A_443, %get3A_27 : vector<16xf32>
      %add3A_445 = arith.addf %add3A_436, %mul3A_444 : vector<16xf32>
      %broadcast_in_dim3A_446 = arith.constant true
      %broadcast_in_dim3A_447 = vector.broadcast %broadcast_in_dim3A_446 : i1 to vector<16xi1>
      %masked_cumsum3A = tpu.scan <sum>, %add3A_445 masked %broadcast_in_dim3A_447 : vector<16xf32>, vector<16xi1> -> vector<16xf32>
      %add3A_448 = arith.constant 320 : i32
      %add3A_449 = arith.addi %add3A_448, %add3A_408 : i32
      %swap3A = arith.index_cast %add3A_449 : i32 to index
      %swap3A_450 = arith.constant 0 : index
      %swap3A_451 = tpu.vector_load %arg15[%swap3A, %swap3A_450] {strides = array<i32>} : memref<512x16xf32, #tpu.memory_space<vmem>>, vector<16xf32>,
      tpu.vector_store %arg15[%swap3A, %swap3A_450], %masked_cumsum3A {strides = array<i32>} : memref<512x16xf32, #tpu.memory_space<vmem>>, vector<16xf32>,
      %mul3A_452 = arith.constant 2 : i32
      %mul3A_453 = arith.muli %scan3A_404, %mul3A_452 : i32
      %add3A_454 = arith.constant 1 : i32
      %add3A_455 = arith.addi %mul3A_453, %add3A_454 : i32
      %add3A_456 = arith.constant 64 : i32
      %add3A_457 = arith.addi %add3A_456, %add3A_455 : i32
      %get3A_458 = arith.index_cast %add3A_457 : i32 to index
      %get3A_459 = arith.constant 0 : index
      %get3A_460 = tpu.vector_load %arg11[%get3A_458, %get3A_459] {strides = array<i32>} : memref<128x128xf32, #tpu.memory_space<vmem>>, vector<16xf32>,
      %get3A_461 = arith.index_cast %add3A_457 : i32 to index
      %get3A_462 = arith.constant 0 : index
      %get3A_463 = tpu.vector_load %arg12[%get3A_461, %get3A_462] {strides = array<i32>} : memref<128x128xf32, #tpu.memory_space<vmem>>, vector<16xf32>,
      %mul3A_464 = arith.mulf %get3A_460, %get3A_463 : vector<16xf32>
      %mul3A_465 = arith.mulf %mul3A_464, %get3A_21 : vector<16xf32>
      %get3A_466 = arith.index_cast %add3A_457 : i32 to index
      %get3A_467 = arith.constant 16 : index
      %get3A_468 = tpu.vector_load %arg11[%get3A_466, %get3A_467] {strides = array<i32>} : memref<128x128xf32, #tpu.memory_space<vmem>>, vector<16xf32>,
      %get3A_469 = arith.index_cast %add3A_457 : i32 to index
      %get3A_470 = arith.constant 16 : index
      %get3A_471 = tpu.vector_load %arg12[%get3A_469, %get3A_470] {strides = array<i32>} : memref<128x128xf32, #tpu.memory_space<vmem>>, vector<16xf32>,
      %mul3A_472 = arith.mulf %get3A_468, %get3A_471 : vector<16xf32>
      %mul3A_473 = arith.mulf %mul3A_472, %get3A_23 : vector<16xf32>
      %add3A_474 = arith.addf %mul3A_465, %mul3A_473 : vector<16xf32>
      %get3A_475 = arith.index_cast %add3A_457 : i32 to index
      %get3A_476 = arith.constant 32 : index
      %get3A_477 = tpu.vector_load %arg11[%get3A_475, %get3A_476] {strides = array<i32>} : memref<128x128xf32, #tpu.memory_space<vmem>>, vector<16xf32>,
      %get3A_478 = arith.index_cast %add3A_457 : i32 to index
      %get3A_479 = arith.constant 32 : index
      %get3A_480 = tpu.vector_load %arg12[%get3A_478, %get3A_479] {strides = array<i32>} : memref<128x128xf32, #tpu.memory_space<vmem>>, vector<16xf32>,
      %mul3A_481 = arith.mulf %get3A_477, %get3A_480 : vector<16xf32>
      %mul3A_482 = arith.mulf %mul3A_481, %get3A_25 : vector<16xf32>
      %add3A_483 = arith.addf %add3A_474, %mul3A_482 : vector<16xf32>
      %get3A_484 = arith.index_cast %add3A_457 : i32 to index
      %get3A_485 = arith.constant 48 : index
      %get3A_486 = tpu.vector_load %arg11[%get3A_484, %get3A_485] {strides = array<i32>} : memref<128x128xf32, #tpu.memory_space<vmem>>, vector<16xf32>,
      %get3A_487 = arith.index_cast %add3A_457 : i32 to index
      %get3A_488 = arith.constant 48 : index
      %get3A_489 = tpu.vector_load %arg12[%get3A_487, %get3A_488] {strides = array<i32>} : memref<128x128xf32, #tpu.memory_space<vmem>>, vector<16xf32>,
      %mul3A_490 = arith.mulf %get3A_486, %get3A_489 : vector<16xf32>
      %mul3A_491 = arith.mulf %mul3A_490, %get3A_27 : vector<16xf32>
      %add3A_492 = arith.addf %add3A_483, %mul3A_491 : vector<16xf32>
      %broadcast_in_dim3A_493 = arith.constant true
      %broadcast_in_dim3A_494 = vector.broadcast %broadcast_in_dim3A_493 : i1 to vector<16xi1>
      %masked_cumsum3A_495 = tpu.scan <sum>, %add3A_492 masked %broadcast_in_dim3A_494 : vector<16xf32>, vector<16xi1> -> vector<16xf32>
      %add3A_496 = arith.constant 320 : i32
      %add3A_497 = arith.addi %add3A_496, %add3A_455 : i32
      %swap3A_498 = arith.index_cast %add3A_497 : i32 to index
      %swap3A_499 = arith.constant 0 : index
      %swap3A_500 = tpu.vector_load %arg15[%swap3A_498, %swap3A_499] {strides = array<i32>} : memref<512x16xf32, #tpu.memory_space<vmem>>, vector<16xf32>,
      tpu.vector_store %arg15[%swap3A_498, %swap3A_499], %masked_cumsum3A_495 {strides = array<i32>} : memref<512x16xf32, #tpu.memory_space<vmem>>, vector<16xf32>,
    }
    %scan3A_325 = arith.constant 32 : i32
    %dma_start3A_326 = arith.constant 7 : i32
    %dma_start3A_327 = arith.constant 64 : i32
    %dma_start3A_328 = arith.constant 0 : i32
    %dma_start3A_329 = tpu.memref_slice %arg11[%dma_start3A_327, %dma_start3A_328] : memref<128x128xf32, #tpu.memory_space<vmem>> -> memref<64x128xf32, #tpu.memory_space<vmem>>
    %dma_start3A_330 = arith.constant 0 : i32
    %dma_start3A_331 = tpu.memref_slice %arg9[%dma_start3A_326, %dma_start3A_330] : memref<8x64xi32, #tpu.memory_space<vmem>> -> memref<1x64xi32, #tpu.memory_space<vmem>>
    %dma_start3A_332 = tpu.memref_squeeze %dma_start3A_331 : memref<1x64xi32, #tpu.memory_space<vmem>> -> memref<64xi32, #tpu.memory_space<vmem>>
    %dma_start3A_333 = arith.constant 0 : i32
    %dma_start3A_334 = arith.constant 0 : i32
    %dma_start3A_335 = tpu.memref_slice %arg4[%dma_start3A_333, %dma_start3A_334] : memref<100000x128xf32, #tpu.memory_space<hbm>> -> memref<100000x128xf32, #tpu.memory_space<hbm>>
    tpu.enqueue_indirect_dma source(%dma_start3A_335 : memref<100000x128xf32, #tpu.memory_space<hbm>>) target(%dma_start3A_329 : memref<64x128xf32, #tpu.memory_space<vmem>>) offsets(%dma_start3A_332 : memref<64xi32, #tpu.memory_space<vmem>>) semaphore(%arg25 : memref<!tpu.dma_semaphore, #tpu.memory_space<semaphore_mem>>)
    %dma_start3A_336 = arith.constant 7 : i32
    %dma_start3A_337 = arith.constant 64 : i32
    %dma_start3A_338 = arith.constant 0 : i32
    %dma_start3A_339 = tpu.memref_slice %arg12[%dma_start3A_337, %dma_start3A_338] : memref<128x128xf32, #tpu.memory_space<vmem>> -> memref<64x128xf32, #tpu.memory_space<vmem>>
    %dma_start3A_340 = arith.constant 0 : i32
    %dma_start3A_341 = tpu.memref_slice %arg10[%dma_start3A_336, %dma_start3A_340] : memref<8x64xi32, #tpu.memory_space<vmem>> -> memref<1x64xi32, #tpu.memory_space<vmem>>
    %dma_start3A_342 = tpu.memref_squeeze %dma_start3A_341 : memref<1x64xi32, #tpu.memory_space<vmem>> -> memref<64xi32, #tpu.memory_space<vmem>>
    %dma_start3A_343 = arith.constant 0 : i32
    %dma_start3A_344 = arith.constant 0 : i32
    %dma_start3A_345 = tpu.memref_slice %arg5[%dma_start3A_343, %dma_start3A_344] : memref<100000x128xf32, #tpu.memory_space<hbm>> -> memref<100000x128xf32, #tpu.memory_space<hbm>>
    tpu.enqueue_indirect_dma source(%dma_start3A_345 : memref<100000x128xf32, #tpu.memory_space<hbm>>) target(%dma_start3A_339 : memref<64x128xf32, #tpu.memory_space<vmem>>) offsets(%dma_start3A_342 : memref<64xi32, #tpu.memory_space<vmem>>) semaphore(%arg25 : memref<!tpu.dma_semaphore, #tpu.memory_space<semaphore_mem>>)
    %dma_wait3A_346 = arith.constant 6 : i32
    %dma_wait3A_347 = arith.constant 0 : i32
    %dma_wait3A_348 = arith.constant 0 : i32
    %dma_wait3A_349 = tpu.memref_slice %arg11[%dma_wait3A_347, %dma_wait3A_348] : memref<128x128xf32, #tpu.memory_space<vmem>> -> memref<64x128xf32, #tpu.memory_space<vmem>>
    %dma_wait3A_350 = arith.constant 0 : i32
    %dma_wait3A_351 = tpu.memref_slice %arg9[%dma_wait3A_346, %dma_wait3A_350] : memref<8x64xi32, #tpu.memory_space<vmem>> -> memref<1x64xi32, #tpu.memory_space<vmem>>
    %dma_wait3A_352 = tpu.memref_squeeze %dma_wait3A_351 : memref<1x64xi32, #tpu.memory_space<vmem>> -> memref<64xi32, #tpu.memory_space<vmem>>
    %dma_wait3A_353 = arith.constant 0 : i32
    %dma_wait3A_354 = arith.constant 0 : i32
    %dma_wait3A_355 = tpu.memref_slice %arg4[%dma_wait3A_353, %dma_wait3A_354] : memref<100000x128xf32, #tpu.memory_space<hbm>> -> memref<100000x128xf32, #tpu.memory_space<hbm>>
    tpu.wait_indirect_dma semaphore(%arg24 : memref<!tpu.dma_semaphore, #tpu.memory_space<semaphore_mem>>) src(%dma_wait3A_355 : memref<100000x128xf32, #tpu.memory_space<hbm>>) dst(%dma_wait3A_349 : memref<64x128xf32, #tpu.memory_space<vmem>>)
    %dma_wait3A_356 = arith.constant 6 : i32
    %dma_wait3A_357 = arith.constant 0 : i32
    %dma_wait3A_358 = arith.constant 0 : i32
    %dma_wait3A_359 = tpu.memref_slice %arg12[%dma_wait3A_357, %dma_wait3A_358] : memref<128x128xf32, #tpu.memory_space<vmem>> -> memref<64x128xf32, #tpu.memory_space<vmem>>
    %dma_wait3A_360 = arith.constant 0 : i32
    %dma_wait3A_361 = tpu.memref_slice %arg10[%dma_wait3A_356, %dma_wait3A_360] : memref<8x64xi32, #tpu.memory_space<vmem>> -> memref<1x64xi32, #tpu.memory_space<vmem>>
    %dma_wait3A_362 = tpu.memref_squeeze %dma_wait3A_361 : memref<1x64xi32, #tpu.memory_space<vmem>> -> memref<64xi32, #tpu.memory_space<vmem>>
    %dma_wait3A_363 = arith.constant 0 : i32
    %dma_wait3A_364 = arith.constant 0 : i32
    %dma_wait3A_365 = tpu.memref_slice %arg5[%dma_wait3A_363, %dma_wait3A_364] : memref<100000x128xf32, #tpu.memory_space<hbm>> -> memref<100000x128xf32, #tpu.memory_space<hbm>>
    tpu.wait_indirect_dma semaphore(%arg24 : memref<!tpu.dma_semaphore, #tpu.memory_space<semaphore_mem>>) src(%dma_wait3A_365 : memref<100000x128xf32, #tpu.memory_space<hbm>>) dst(%dma_wait3A_359 : memref<64x128xf32, #tpu.memory_space<vmem>>)
    %scan3A_366 = arith.constant 0 : i32
    %scan3A_367 = arith.constant 0 : i32
    %scan3A_368 = arith.constant 32 : i32
    %scan3A_369 = arith.addi %scan3A_367, %scan3A_368 : i32
    %scan3A_370 = arith.constant 1 : i32
    scf.for %scan3A_404 = %scan3A_367 to %scan3A_369 step %scan3A_370  : i32 {
      %mul3A_405 = arith.constant 2 : i32
      %mul3A_406 = arith.muli %scan3A_404, %mul3A_405 : i32
      %add3A_407 = arith.constant 0 : i32
      %add3A_408 = arith.addi %mul3A_406, %add3A_407 : i32
      %add3A_409 = arith.constant 0 : i32
      %add3A_410 = arith.addi %add3A_409, %add3A_408 : i32
      %get3A_411 = arith.index_cast %add3A_410 : i32 to index
      %get3A_412 = arith.constant 0 : index
      %get3A_413 = tpu.vector_load %arg11[%get3A_411, %get3A_412] {strides = array<i32>} : memref<128x128xf32, #tpu.memory_space<vmem>>, vector<16xf32>,
      %get3A_414 = arith.index_cast %add3A_410 : i32 to index
      %get3A_415 = arith.constant 0 : index
      %get3A_416 = tpu.vector_load %arg12[%get3A_414, %get3A_415] {strides = array<i32>} : memref<128x128xf32, #tpu.memory_space<vmem>>, vector<16xf32>,
      %mul3A_417 = arith.mulf %get3A_413, %get3A_416 : vector<16xf32>
      %mul3A_418 = arith.mulf %mul3A_417, %get3A_21 : vector<16xf32>
      %get3A_419 = arith.index_cast %add3A_410 : i32 to index
      %get3A_420 = arith.constant 16 : index
      %get3A_421 = tpu.vector_load %arg11[%get3A_419, %get3A_420] {strides = array<i32>} : memref<128x128xf32, #tpu.memory_space<vmem>>, vector<16xf32>,
      %get3A_422 = arith.index_cast %add3A_410 : i32 to index
      %get3A_423 = arith.constant 16 : index
      %get3A_424 = tpu.vector_load %arg12[%get3A_422, %get3A_423] {strides = array<i32>} : memref<128x128xf32, #tpu.memory_space<vmem>>, vector<16xf32>,
      %mul3A_425 = arith.mulf %get3A_421, %get3A_424 : vector<16xf32>
      %mul3A_426 = arith.mulf %mul3A_425, %get3A_23 : vector<16xf32>
      %add3A_427 = arith.addf %mul3A_418, %mul3A_426 : vector<16xf32>
      %get3A_428 = arith.index_cast %add3A_410 : i32 to index
      %get3A_429 = arith.constant 32 : index
      %get3A_430 = tpu.vector_load %arg11[%get3A_428, %get3A_429] {strides = array<i32>} : memref<128x128xf32, #tpu.memory_space<vmem>>, vector<16xf32>,
      %get3A_431 = arith.index_cast %add3A_410 : i32 to index
      %get3A_432 = arith.constant 32 : index
      %get3A_433 = tpu.vector_load %arg12[%get3A_431, %get3A_432] {strides = array<i32>} : memref<128x128xf32, #tpu.memory_space<vmem>>, vector<16xf32>,
      %mul3A_434 = arith.mulf %get3A_430, %get3A_433 : vector<16xf32>
      %mul3A_435 = arith.mulf %mul3A_434, %get3A_25 : vector<16xf32>
      %add3A_436 = arith.addf %add3A_427, %mul3A_435 : vector<16xf32>
      %get3A_437 = arith.index_cast %add3A_410 : i32 to index
      %get3A_438 = arith.constant 48 : index
      %get3A_439 = tpu.vector_load %arg11[%get3A_437, %get3A_438] {strides = array<i32>} : memref<128x128xf32, #tpu.memory_space<vmem>>, vector<16xf32>,
      %get3A_440 = arith.index_cast %add3A_410 : i32 to index
      %get3A_441 = arith.constant 48 : index
      %get3A_442 = tpu.vector_load %arg12[%get3A_440, %get3A_441] {strides = array<i32>} : memref<128x128xf32, #tpu.memory_space<vmem>>, vector<16xf32>,
      %mul3A_443 = arith.mulf %get3A_439, %get3A_442 : vector<16xf32>
      %mul3A_444 = arith.mulf %mul3A_443, %get3A_27 : vector<16xf32>
      %add3A_445 = arith.addf %add3A_436, %mul3A_444 : vector<16xf32>
      %broadcast_in_dim3A_446 = arith.constant true
      %broadcast_in_dim3A_447 = vector.broadcast %broadcast_in_dim3A_446 : i1 to vector<16xi1>
      %masked_cumsum3A = tpu.scan <sum>, %add3A_445 masked %broadcast_in_dim3A_447 : vector<16xf32>, vector<16xi1> -> vector<16xf32>
      %add3A_448 = arith.constant 384 : i32
      %add3A_449 = arith.addi %add3A_448, %add3A_408 : i32
      %swap3A = arith.index_cast %add3A_449 : i32 to index
      %swap3A_450 = arith.constant 0 : index
      %swap3A_451 = tpu.vector_load %arg15[%swap3A, %swap3A_450] {strides = array<i32>} : memref<512x16xf32, #tpu.memory_space<vmem>>, vector<16xf32>,
      tpu.vector_store %arg15[%swap3A, %swap3A_450], %masked_cumsum3A {strides = array<i32>} : memref<512x16xf32, #tpu.memory_space<vmem>>, vector<16xf32>,
      %mul3A_452 = arith.constant 2 : i32
      %mul3A_453 = arith.muli %scan3A_404, %mul3A_452 : i32
      %add3A_454 = arith.constant 1 : i32
      %add3A_455 = arith.addi %mul3A_453, %add3A_454 : i32
      %add3A_456 = arith.constant 0 : i32
      %add3A_457 = arith.addi %add3A_456, %add3A_455 : i32
      %get3A_458 = arith.index_cast %add3A_457 : i32 to index
      %get3A_459 = arith.constant 0 : index
      %get3A_460 = tpu.vector_load %arg11[%get3A_458, %get3A_459] {strides = array<i32>} : memref<128x128xf32, #tpu.memory_space<vmem>>, vector<16xf32>,
      %get3A_461 = arith.index_cast %add3A_457 : i32 to index
      %get3A_462 = arith.constant 0 : index
      %get3A_463 = tpu.vector_load %arg12[%get3A_461, %get3A_462] {strides = array<i32>} : memref<128x128xf32, #tpu.memory_space<vmem>>, vector<16xf32>,
      %mul3A_464 = arith.mulf %get3A_460, %get3A_463 : vector<16xf32>
      %mul3A_465 = arith.mulf %mul3A_464, %get3A_21 : vector<16xf32>
      %get3A_466 = arith.index_cast %add3A_457 : i32 to index
      %get3A_467 = arith.constant 16 : index
      %get3A_468 = tpu.vector_load %arg11[%get3A_466, %get3A_467] {strides = array<i32>} : memref<128x128xf32, #tpu.memory_space<vmem>>, vector<16xf32>,
      %get3A_469 = arith.index_cast %add3A_457 : i32 to index
      %get3A_470 = arith.constant 16 : index
      %get3A_471 = tpu.vector_load %arg12[%get3A_469, %get3A_470] {strides = array<i32>} : memref<128x128xf32, #tpu.memory_space<vmem>>, vector<16xf32>,
      %mul3A_472 = arith.mulf %get3A_468, %get3A_471 : vector<16xf32>
      %mul3A_473 = arith.mulf %mul3A_472, %get3A_23 : vector<16xf32>
      %add3A_474 = arith.addf %mul3A_465, %mul3A_473 : vector<16xf32>
      %get3A_475 = arith.index_cast %add3A_457 : i32 to index
      %get3A_476 = arith.constant 32 : index
      %get3A_477 = tpu.vector_load %arg11[%get3A_475, %get3A_476] {strides = array<i32>} : memref<128x128xf32, #tpu.memory_space<vmem>>, vector<16xf32>,
      %get3A_478 = arith.index_cast %add3A_457 : i32 to index
      %get3A_479 = arith.constant 32 : index
      %get3A_480 = tpu.vector_load %arg12[%get3A_478, %get3A_479] {strides = array<i32>} : memref<128x128xf32, #tpu.memory_space<vmem>>, vector<16xf32>,
      %mul3A_481 = arith.mulf %get3A_477, %get3A_480 : vector<16xf32>
      %mul3A_482 = arith.mulf %mul3A_481, %get3A_25 : vector<16xf32>
      %add3A_483 = arith.addf %add3A_474, %mul3A_482 : vector<16xf32>
      %get3A_484 = arith.index_cast %add3A_457 : i32 to index
      %get3A_485 = arith.constant 48 : index
      %get3A_486 = tpu.vector_load %arg11[%get3A_484, %get3A_485] {strides = array<i32>} : memref<128x128xf32, #tpu.memory_space<vmem>>, vector<16xf32>,
      %get3A_487 = arith.index_cast %add3A_457 : i32 to index
      %get3A_488 = arith.constant 48 : index
      %get3A_489 = tpu.vector_load %arg12[%get3A_487, %get3A_488] {strides = array<i32>} : memref<128x128xf32, #tpu.memory_space<vmem>>, vector<16xf32>,
      %mul3A_490 = arith.mulf %get3A_486, %get3A_489 : vector<16xf32>
      %mul3A_491 = arith.mulf %mul3A_490, %get3A_27 : vector<16xf32>
      %add3A_492 = arith.addf %add3A_483, %mul3A_491 : vector<16xf32>
      %broadcast_in_dim3A_493 = arith.constant true
      %broadcast_in_dim3A_494 = vector.broadcast %broadcast_in_dim3A_493 : i1 to vector<16xi1>
      %masked_cumsum3A_495 = tpu.scan <sum>, %add3A_492 masked %broadcast_in_dim3A_494 : vector<16xf32>, vector<16xi1> -> vector<16xf32>
      %add3A_496 = arith.constant 384 : i32
      %add3A_497 = arith.addi %add3A_496, %add3A_455 : i32
      %swap3A_498 = arith.index_cast %add3A_497 : i32 to index
      %swap3A_499 = arith.constant 0 : index
      %swap3A_500 = tpu.vector_load %arg15[%swap3A_498, %swap3A_499] {strides = array<i32>} : memref<512x16xf32, #tpu.memory_space<vmem>>, vector<16xf32>,
      tpu.vector_store %arg15[%swap3A_498, %swap3A_499], %masked_cumsum3A_495 {strides = array<i32>} : memref<512x16xf32, #tpu.memory_space<vmem>>, vector<16xf32>,
    }
    %scan3A_371 = arith.constant 32 : i32
    %dma_wait3A_372 = arith.constant 7 : i32
    %dma_wait3A_373 = arith.constant 64 : i32
    %dma_wait3A_374 = arith.constant 0 : i32
    %dma_wait3A_375 = tpu.memref_slice %arg11[%dma_wait3A_373, %dma_wait3A_374] : memref<128x128xf32, #tpu.memory_space<vmem>> -> memref<64x128xf32, #tpu.memory_space<vmem>>
    %dma_wait3A_376 = arith.constant 0 : i32
    %dma_wait3A_377 = tpu.memref_slice %arg9[%dma_wait3A_372, %dma_wait3A_376] : memref<8x64xi32, #tpu.memory_space<vmem>> -> memref<1x64xi32, #tpu.memory_space<vmem>>
    %dma_wait3A_378 = tpu.memref_squeeze %dma_wait3A_377 : memref<1x64xi32, #tpu.memory_space<vmem>> -> memref<64xi32, #tpu.memory_space<vmem>>
    %dma_wait3A_379 = arith.constant 0 : i32
    %dma_wait3A_380 = arith.constant 0 : i32
    %dma_wait3A_381 = tpu.memref_slice %arg4[%dma_wait3A_379, %dma_wait3A_380] : memref<100000x128xf32, #tpu.memory_space<hbm>> -> memref<100000x128xf32, #tpu.memory_space<hbm>>
    tpu.wait_indirect_dma semaphore(%arg25 : memref<!tpu.dma_semaphore, #tpu.memory_space<semaphore_mem>>) src(%dma_wait3A_381 : memref<100000x128xf32, #tpu.memory_space<hbm>>) dst(%dma_wait3A_375 : memref<64x128xf32, #tpu.memory_space<vmem>>)
    %dma_wait3A_382 = arith.constant 7 : i32
    %dma_wait3A_383 = arith.constant 64 : i32
    %dma_wait3A_384 = arith.constant 0 : i32
    %dma_wait3A_385 = tpu.memref_slice %arg12[%dma_wait3A_383, %dma_wait3A_384] : memref<128x128xf32, #tpu.memory_space<vmem>> -> memref<64x128xf32, #tpu.memory_space<vmem>>
    %dma_wait3A_386 = arith.constant 0 : i32
    %dma_wait3A_387 = tpu.memref_slice %arg10[%dma_wait3A_382, %dma_wait3A_386] : memref<8x64xi32, #tpu.memory_space<vmem>> -> memref<1x64xi32, #tpu.memory_space<vmem>>
    %dma_wait3A_388 = tpu.memref_squeeze %dma_wait3A_387 : memref<1x64xi32, #tpu.memory_space<vmem>> -> memref<64xi32, #tpu.memory_space<vmem>>
    %dma_wait3A_389 = arith.constant 0 : i32
    %dma_wait3A_390 = arith.constant 0 : i32
    %dma_wait3A_391 = tpu.memref_slice %arg5[%dma_wait3A_389, %dma_wait3A_390] : memref<100000x128xf32, #tpu.memory_space<hbm>> -> memref<100000x128xf32, #tpu.memory_space<hbm>>
    tpu.wait_indirect_dma semaphore(%arg25 : memref<!tpu.dma_semaphore, #tpu.memory_space<semaphore_mem>>) src(%dma_wait3A_391 : memref<100000x128xf32, #tpu.memory_space<hbm>>) dst(%dma_wait3A_385 : memref<64x128xf32, #tpu.memory_space<vmem>>)
    %scan3A_392 = arith.constant 0 : i32
    %scan3A_393 = arith.constant 0 : i32
    %scan3A_394 = arith.constant 32 : i32
    %scan3A_395 = arith.addi %scan3A_393, %scan3A_394 : i32
    %scan3A_396 = arith.constant 1 : i32
    scf.for %scan3A_404 = %scan3A_393 to %scan3A_395 step %scan3A_396  : i32 {
      %mul3A_405 = arith.constant 2 : i32
      %mul3A_406 = arith.muli %scan3A_404, %mul3A_405 : i32
      %add3A_407 = arith.constant 0 : i32
      %add3A_408 = arith.addi %mul3A_406, %add3A_407 : i32
      %add3A_409 = arith.constant 64 : i32
      %add3A_410 = arith.addi %add3A_409, %add3A_408 : i32
      %get3A_411 = arith.index_cast %add3A_410 : i32 to index
      %get3A_412 = arith.constant 0 : index
      %get3A_413 = tpu.vector_load %arg11[%get3A_411, %get3A_412] {strides = array<i32>} : memref<128x128xf32, #tpu.memory_space<vmem>>, vector<16xf32>,
      %get3A_414 = arith.index_cast %add3A_410 : i32 to index
      %get3A_415 = arith.constant 0 : index
      %get3A_416 = tpu.vector_load %arg12[%get3A_414, %get3A_415] {strides = array<i32>} : memref<128x128xf32, #tpu.memory_space<vmem>>, vector<16xf32>,
      %mul3A_417 = arith.mulf %get3A_413, %get3A_416 : vector<16xf32>
      %mul3A_418 = arith.mulf %mul3A_417, %get3A_21 : vector<16xf32>
      %get3A_419 = arith.index_cast %add3A_410 : i32 to index
      %get3A_420 = arith.constant 16 : index
      %get3A_421 = tpu.vector_load %arg11[%get3A_419, %get3A_420] {strides = array<i32>} : memref<128x128xf32, #tpu.memory_space<vmem>>, vector<16xf32>,
      %get3A_422 = arith.index_cast %add3A_410 : i32 to index
      %get3A_423 = arith.constant 16 : index
      %get3A_424 = tpu.vector_load %arg12[%get3A_422, %get3A_423] {strides = array<i32>} : memref<128x128xf32, #tpu.memory_space<vmem>>, vector<16xf32>,
      %mul3A_425 = arith.mulf %get3A_421, %get3A_424 : vector<16xf32>
      %mul3A_426 = arith.mulf %mul3A_425, %get3A_23 : vector<16xf32>
      %add3A_427 = arith.addf %mul3A_418, %mul3A_426 : vector<16xf32>
      %get3A_428 = arith.index_cast %add3A_410 : i32 to index
      %get3A_429 = arith.constant 32 : index
      %get3A_430 = tpu.vector_load %arg11[%get3A_428, %get3A_429] {strides = array<i32>} : memref<128x128xf32, #tpu.memory_space<vmem>>, vector<16xf32>,
      %get3A_431 = arith.index_cast %add3A_410 : i32 to index
      %get3A_432 = arith.constant 32 : index
      %get3A_433 = tpu.vector_load %arg12[%get3A_431, %get3A_432] {strides = array<i32>} : memref<128x128xf32, #tpu.memory_space<vmem>>, vector<16xf32>,
      %mul3A_434 = arith.mulf %get3A_430, %get3A_433 : vector<16xf32>
      %mul3A_435 = arith.mulf %mul3A_434, %get3A_25 : vector<16xf32>
      %add3A_436 = arith.addf %add3A_427, %mul3A_435 : vector<16xf32>
      %get3A_437 = arith.index_cast %add3A_410 : i32 to index
      %get3A_438 = arith.constant 48 : index
      %get3A_439 = tpu.vector_load %arg11[%get3A_437, %get3A_438] {strides = array<i32>} : memref<128x128xf32, #tpu.memory_space<vmem>>, vector<16xf32>,
      %get3A_440 = arith.index_cast %add3A_410 : i32 to index
      %get3A_441 = arith.constant 48 : index
      %get3A_442 = tpu.vector_load %arg12[%get3A_440, %get3A_441] {strides = array<i32>} : memref<128x128xf32, #tpu.memory_space<vmem>>, vector<16xf32>,
      %mul3A_443 = arith.mulf %get3A_439, %get3A_442 : vector<16xf32>
      %mul3A_444 = arith.mulf %mul3A_443, %get3A_27 : vector<16xf32>
      %add3A_445 = arith.addf %add3A_436, %mul3A_444 : vector<16xf32>
      %broadcast_in_dim3A_446 = arith.constant true
      %broadcast_in_dim3A_447 = vector.broadcast %broadcast_in_dim3A_446 : i1 to vector<16xi1>
      %masked_cumsum3A = tpu.scan <sum>, %add3A_445 masked %broadcast_in_dim3A_447 : vector<16xf32>, vector<16xi1> -> vector<16xf32>
      %add3A_448 = arith.constant 448 : i32
      %add3A_449 = arith.addi %add3A_448, %add3A_408 : i32
      %swap3A = arith.index_cast %add3A_449 : i32 to index
      %swap3A_450 = arith.constant 0 : index
      %swap3A_451 = tpu.vector_load %arg15[%swap3A, %swap3A_450] {strides = array<i32>} : memref<512x16xf32, #tpu.memory_space<vmem>>, vector<16xf32>,
      tpu.vector_store %arg15[%swap3A, %swap3A_450], %masked_cumsum3A {strides = array<i32>} : memref<512x16xf32, #tpu.memory_space<vmem>>, vector<16xf32>,
      %mul3A_452 = arith.constant 2 : i32
      %mul3A_453 = arith.muli %scan3A_404, %mul3A_452 : i32
      %add3A_454 = arith.constant 1 : i32
      %add3A_455 = arith.addi %mul3A_453, %add3A_454 : i32
      %add3A_456 = arith.constant 64 : i32
      %add3A_457 = arith.addi %add3A_456, %add3A_455 : i32
      %get3A_458 = arith.index_cast %add3A_457 : i32 to index
      %get3A_459 = arith.constant 0 : index
      %get3A_460 = tpu.vector_load %arg11[%get3A_458, %get3A_459] {strides = array<i32>} : memref<128x128xf32, #tpu.memory_space<vmem>>, vector<16xf32>,
      %get3A_461 = arith.index_cast %add3A_457 : i32 to index
      %get3A_462 = arith.constant 0 : index
      %get3A_463 = tpu.vector_load %arg12[%get3A_461, %get3A_462] {strides = array<i32>} : memref<128x128xf32, #tpu.memory_space<vmem>>, vector<16xf32>,
      %mul3A_464 = arith.mulf %get3A_460, %get3A_463 : vector<16xf32>
      %mul3A_465 = arith.mulf %mul3A_464, %get3A_21 : vector<16xf32>
      %get3A_466 = arith.index_cast %add3A_457 : i32 to index
      %get3A_467 = arith.constant 16 : index
      %get3A_468 = tpu.vector_load %arg11[%get3A_466, %get3A_467] {strides = array<i32>} : memref<128x128xf32, #tpu.memory_space<vmem>>, vector<16xf32>,
      %get3A_469 = arith.index_cast %add3A_457 : i32 to index
      %get3A_470 = arith.constant 16 : index
      %get3A_471 = tpu.vector_load %arg12[%get3A_469, %get3A_470] {strides = array<i32>} : memref<128x128xf32, #tpu.memory_space<vmem>>, vector<16xf32>,
      %mul3A_472 = arith.mulf %get3A_468, %get3A_471 : vector<16xf32>
      %mul3A_473 = arith.mulf %mul3A_472, %get3A_23 : vector<16xf32>
      %add3A_474 = arith.addf %mul3A_465, %mul3A_473 : vector<16xf32>
      %get3A_475 = arith.index_cast %add3A_457 : i32 to index
      %get3A_476 = arith.constant 32 : index
      %get3A_477 = tpu.vector_load %arg11[%get3A_475, %get3A_476] {strides = array<i32>} : memref<128x128xf32, #tpu.memory_space<vmem>>, vector<16xf32>,
      %get3A_478 = arith.index_cast %add3A_457 : i32 to index
      %get3A_479 = arith.constant 32 : index
      %get3A_480 = tpu.vector_load %arg12[%get3A_478, %get3A_479] {strides = array<i32>} : memref<128x128xf32, #tpu.memory_space<vmem>>, vector<16xf32>,
      %mul3A_481 = arith.mulf %get3A_477, %get3A_480 : vector<16xf32>
      %mul3A_482 = arith.mulf %mul3A_481, %get3A_25 : vector<16xf32>
      %add3A_483 = arith.addf %add3A_474, %mul3A_482 : vector<16xf32>
      %get3A_484 = arith.index_cast %add3A_457 : i32 to index
      %get3A_485 = arith.constant 48 : index
      %get3A_486 = tpu.vector_load %arg11[%get3A_484, %get3A_485] {strides = array<i32>} : memref<128x128xf32, #tpu.memory_space<vmem>>, vector<16xf32>,
      %get3A_487 = arith.index_cast %add3A_457 : i32 to index
      %get3A_488 = arith.constant 48 : index
      %get3A_489 = tpu.vector_load %arg12[%get3A_487, %get3A_488] {strides = array<i32>} : memref<128x128xf32, #tpu.memory_space<vmem>>, vector<16xf32>,
      %mul3A_490 = arith.mulf %get3A_486, %get3A_489 : vector<16xf32>
      %mul3A_491 = arith.mulf %mul3A_490, %get3A_27 : vector<16xf32>
      %add3A_492 = arith.addf %add3A_483, %mul3A_491 : vector<16xf32>
      %broadcast_in_dim3A_493 = arith.constant true
      %broadcast_in_dim3A_494 = vector.broadcast %broadcast_in_dim3A_493 : i1 to vector<16xi1>
      %masked_cumsum3A_495 = tpu.scan <sum>, %add3A_492 masked %broadcast_in_dim3A_494 : vector<16xf32>, vector<16xi1> -> vector<16xf32>
      %add3A_496 = arith.constant 448 : i32
      %add3A_497 = arith.addi %add3A_496, %add3A_455 : i32
      %swap3A_498 = arith.index_cast %add3A_497 : i32 to index
      %swap3A_499 = arith.constant 0 : index
      %swap3A_500 = tpu.vector_load %arg15[%swap3A_498, %swap3A_499] {strides = array<i32>} : memref<512x16xf32, #tpu.memory_space<vmem>>, vector<16xf32>,
      tpu.vector_store %arg15[%swap3A_498, %swap3A_499], %masked_cumsum3A_495 {strides = array<i32>} : memref<512x16xf32, #tpu.memory_space<vmem>>, vector<16xf32>,
    }
    %scan3A_397 = arith.constant 32 : i32
    %scan3A_398 = arith.constant 0 : i32
    %scan3A_399 = arith.constant 0 : i32
    %scan3A_400 = arith.constant 32 : i32
    %scan3A_401 = arith.addi %scan3A_399, %scan3A_400 : i32
    %scan3A_402 = arith.constant 1 : i32
    scf.for %scan3A_404 = %scan3A_399 to %scan3A_401 step %scan3A_402  : i32 {
      %mul3A_405 = arith.constant 16 : i32
      %mul3A_406 = arith.muli %scan3A_404, %mul3A_405 : i32
      %iota3A = tpu.iota {dimensions = array<i32: 0>} : vector<16xi32>
      %add3A_407 = vector.broadcast %mul3A_406 : i32 to vector<16xi32>
      %add3A_408 = arith.addi %add3A_407, %iota3A : vector<16xi32>
      %gather3A = tpu.vector_load_idx %arg15[%add3A_408, %broadcast_in_dim3A_30] : memref<512x16xf32, #tpu.memory_space<vmem>>[vector<16xi32>, vector<16xi32>], vector<16xf32>,
      %add3A_409 = arith.addf %gather3A, %get3A_29 : vector<16xf32>
      %neg3A = arith.constant 0.000000e+00 : f32
      %neg3A_410 = vector.broadcast %neg3A : f32 to vector<16xf32>
      %neg3A_411 = arith.subf %neg3A_410, %add3A_409 : vector<16xf32>
      %exp3A = math.exp %neg3A_411 : vector<16xf32>
      %add3A_412 = arith.constant 1.000000e+00 : f32
      %add3A_413 = vector.broadcast %add3A_412 : f32 to vector<16xf32>
      %add3A_414 = arith.addf %add3A_413, %exp3A : vector<16xf32>
      %div3A = arith.constant 1.000000e+00 : f32
      %div3A_415 = vector.broadcast %div3A : f32 to vector<16xf32>
      %div3A_416 = arith.divf %div3A_415, %add3A_414 : vector<16xf32>
      %mul3A_417 = arith.constant 16 : i32
      %mul3A_418 = arith.muli %scan3A_404, %mul3A_417 : i32
      %swap3A = arith.index_cast %mul3A_418 : i32 to index
      %swap3A_419 = tpu.vector_load %arg16[%swap3A] {strides = array<i32>} : memref<512xf32, #tpu.memory_space<vmem>>, vector<16xf32>,
      tpu.vector_store %arg16[%swap3A], %div3A_416 {strides = array<i32>} : memref<512xf32, #tpu.memory_space<vmem>>, vector<16xf32>,
    }
    %scan3A_403 = arith.constant 32 : i32
    "tpu.region"() ({
      %run_scoped3A = tpu.sem_alloc : memref<!tpu.dma_semaphore, #tpu.memory_space<semaphore_mem>>
      %dma_start3A_404 = tpu.memref_slice %arg8[%mul3A_2] : memref<16384xf32, #tpu.memory_space<hbm>> -> memref<512xf32, #tpu.memory_space<hbm>>
      %dma_start3A_405 = tpu.memref_slice %arg8[%mul3A_2] : memref<16384xf32, #tpu.memory_space<hbm>> -> memref<512xf32, #tpu.memory_space<hbm>>
      tpu.enqueue_dma source(%arg16 : memref<512xf32, #tpu.memory_space<vmem>>) target(%dma_start3A_405 : memref<512xf32, #tpu.memory_space<hbm>>) target_semaphore(%run_scoped3A : memref<!tpu.dma_semaphore, #tpu.memory_space<semaphore_mem>>)
      %dma_wait3A_406 = tpu.memref_slice %arg8[%mul3A_2] : memref<16384xf32, #tpu.memory_space<hbm>> -> memref<512xf32, #tpu.memory_space<hbm>>
      %dma_wait3A_407 = tpu.memref_slice %arg8[%mul3A_2] : memref<16384xf32, #tpu.memory_space<hbm>> -> memref<512xf32, #tpu.memory_space<hbm>>
      tpu.wait_dma2 semaphore(%run_scoped3A : memref<!tpu.dma_semaphore, #tpu.memory_space<semaphore_mem>>) src(%arg16 : memref<512xf32, #tpu.memory_space<vmem>>) dst(%dma_wait3A_407 : memref<512xf32, #tpu.memory_space<hbm>>)
      tpu.yield
    }) : () -> ()
    return
  }
}

</mosaic_0001>

<sc_bundles>
// kernel: _sc_call.3.cloned.1.call-start
scs
__scs_entry_jumppad:
0x0: {  	(pc) =	sbr.rel $0x88, $3  }
0x1: {  	(tag) =	ssettag $0x0;
	lr =	simm.s32 $0x1  }
0x2: {  	[smem:$0x3F9B] =	sst lr;
	_ =	strace $0xD0000000  }
0x3: {  	_ = 	snop  }
0x4: {  	_ = 	snop  }
0x5: {  	_ = 	snop  }
0x6: {  	_ = 	snop  }
0x7: {  	_ = 	snop  }
__scs_overlays_trampoline_lowered:
0x8: {  	[smem:$0x3FAA] =	sst s0  }
0x9: {  	[smem:$0x3FAB] =	sst s1  }
0xa: {  	[smem:$0x3FAC] =	sst s2  }
0xb: {  	[smem:$0x3FAD] =	sst s3  }
0xc: {  	[smem:$0x3FAE] =	sst s4  }
0xd: {  	[smem:$0x3FAF] =	sst s5  }
0xe: {  	[smem:$0x3FB0] =	sst s6  }
0xf: {  	[smem:$0x3FB1] =	sst s7  }
0x10: {  	[smem:$0x3FB2] =	sst s8  }
0x11: {  	[smem:$0x3FB3] =	sst s9;
	s0 =	simm.s32 @!p0 $0x0  }
0x12: {  	s1 =	sld [smem:$0x3F99];
	s0 =	simm.s32 @p0 $0x1  }
0x13: {  	[smem:$0x3FB4] =	sst s0;
	s0 =	simm.s32 @!p1 $0x0  }
0x14: {  	s2 =	sld [smem:$0x3F98];
	s0 =	simm.s32 @p1 $0x1  }
0x15: {  	[smem:$0x3FB5] =	sst s0;
	s0 =	simm.s32 @!p2 $0x0  }
0x16: {  	s3 =	sld [smem:$0x3FDB];
	s0 =	simm.s32 @p2 $0x1  }
0x17: {  	s4 =	simm.s32 $0x1BF5;
	[smem:$0x3FB7] =	sst s0  }
0x18: {  	s0 =	sld [smem:$0x3F9A];
	_ =	swait.ge [sflag:s4], $0x0  }
0x19: {  	s7 =	sld [smem:$0x3F9B]  }
0x1a: {  	s8 =	sadd.s32 $0xFFFFE003, lr  }
0x1b: {  	s9 =	sadd.s32 $0xFFFFFEF7, lr;
	s5 =	simm.s32 $0xFFFFFFFF;
	p2 =	slt.u32 s8, $0xFFFFF086  }
0x1c: {  	p1 =	slt.u32 s9, $0xF7A;
	s5 =	simm.s32 @!p2 $0x0  }
0x1d: {  	s5 =	simm.s32 @p1 $0x1;
	p0 =	seq.s32 s7, s2  }
0x1e: {  	s7 =	smul.u32 @!p0 $0xF7A, s2;
	p2 =	seq.s32 @!p0 s5, $0x0  }
0x1f: {  	s9 =	smul.u32 $0xF7A, s1;
	s8 =	simm.s32 @!p0 $0x1BF5;
	p2 =	por !p2, p0  }
0x20: {  	[sflag:s8] =	ssyncset.s32 @!p0 $0xFFFFF086;
	s6 =	sadd.s32 @!p0 s3, s7;
	s7 =	simm.s32 @!p0 $0x108  }
0x21: {  	s3 =	sadd.s32 s3, s9;
	s6 =	sadd.s32 @!p0 $0x88, s6;
	s7 =	simm.s32 @p2 $0x1082  }
0x22: {  	[simem:s7], [sflag:s8] =	dma.local @!p0 [hbm:s6], $0xF7A  }
0x23: {  	s9 =	sor.u32 $0xD0000000, s2;
	s6 =	simm.s32 $0x108;
	_ =	swait.ge @!p0 [sflag:s8], $0x0  }
0x24: {  	s3 =	sadd.s32 $0x88, s3;
	s6 =	simm.s32 @!p1 $0x1082;
	[sflag:s4] =	ssyncset.s32 $0xFFFFF086  }
0x25: {  	[simem:s6], [sflag:s4] =	dma.local [hbm:s3], $0xF7A  }
0x26: {  	[smem:$0x3F9B] =	sst s1;
	(tag) =	ssettag s2;
	_ =	strace s9  }
0x27: {  	s1 =	sld [smem:$0x3FAB]  }
0x28: {  	s2 =	sld [smem:$0x3FAC]  }
0x29: {  	s4 =	sld [smem:$0x3FAE]  }
0x2a: {  	p0 =	seq.s32 s5, $0x0;
	s5 =	sld [smem:$0x3FAF]  }
0x2b: {  	s6 =	sld [smem:$0x3FB0]  }
0x2c: {  	s7 =	sld [smem:$0x3FB1]  }
0x2d: {  	s3 =	simm.s32 $0x108;
	s8 =	sld [smem:$0x3FB2]  }
0x2e: {  	s3 =	simm.s32 @!p0 $0x1082;
	s9 =	sld [smem:$0x3FB3]  }
0x2f: {  	lr =	sadd.s32 s0, s3;
	s0 =	sld [smem:$0x3FAA]  }
0x30: {  	s3 =	sld [smem:$0x3FAD]  }
0x31: {  	[smem:$0x3FB6] =	sst s10  }
0x32: {  	s10 =	sld [smem:$0x3FB4];
	_ =	sdelay $0x3  }
0x33: {  	p0 =	seq.s32 s10, $0x1;
	s10 =	sld [smem:$0x3FB6];
	_ =	sdelay $0x3  }
0x34: {  	[smem:$0x3FB6] =	sst s10  }
0x35: {  	s10 =	sld [smem:$0x3FB5];
	_ =	sdelay $0x3  }
0x36: {  	p1 =	seq.s32 s10, $0x1;
	s10 =	sld [smem:$0x3FB6];
	_ =	sdelay $0x3  }
0x37: {  	[smem:$0x3FB6] =	sst s10  }
0x38: {  	s10 =	sld [smem:$0x3FB7]  }
0x39: {  	_ = 	snop;
	(pc) =	sbr.ind lr, $3  }
0x3a: {  	_ = 	snop  }
0x3b: {  	_ = 	snop  }
0x3c: {  	p2 =	seq.s32 s10, $0x1;
	s10 =	sld [smem:$0x3FB6]  }
0x3d: {  	_ =	shalt  }
0x3e: {  	_ =	shalt  }
0x3f: {  	_ =	shalt  }
0x40: {  	_ =	shalt  }
0x41: {  	_ =	shalt  }
0x42: {  	_ =	shalt  }
0x43: {  	_ =	shalt  }
0x44: {  	_ =	shalt  }
0x45: {  	_ =	shalt  }
0x46: {  	_ =	shalt  }
0x47: {  	_ =	shalt  }
0x48: {  	_ =	shalt  }
0x49: {  	_ =	shalt  }
0x4a: {  	_ =	shalt  }
0x4b: {  	_ =	shalt  }
0x4c: {  	_ =	shalt  }
0x4d: {  	_ =	shalt  }
0x4e: {  	_ =	shalt  }
0x4f: {  	_ =	shalt  }
0x50: {  	_ =	shalt  }
0x51: {  	_ =	shalt  }
0x52: {  	_ =	shalt  }
0x53: {  	_ =	shalt  }
0x54: {  	_ =	shalt  }
0x55: {  	_ =	shalt  }
0x56: {  	_ =	shalt  }
0x57: {  	_ =	shalt  }
0x58: {  	_ =	shalt  }
0x59: {  	_ =	shalt  }
0x5a: {  	_ =	shalt  }
0x5b: {  	_ =	shalt  }
0x5c: {  	_ =	shalt  }
0x5d: {  	_ =	shalt  }
0x5e: {  	_ =	shalt  }
0x5f: {  	_ =	shalt  }
0x60: {  	_ =	shalt  }
0x61: {  	_ =	shalt  }
0x62: {  	_ =	shalt  }
0x63: {  	_ =	shalt  }
0x64: {  	_ =	shalt  }
0x65: {  	_ =	shalt  }
0x66: {  	_ =	shalt  }
0x67: {  	_ =	shalt  }
0x68: {  	_ =	shalt  }
0x69: {  	_ =	shalt  }
0x6a: {  	_ =	shalt  }
0x6b: {  	_ =	shalt  }
0x6c: {  	_ =	shalt  }
0x6d: {  	_ =	shalt  }
0x6e: {  	_ =	shalt  }
0x6f: {  	_ =	shalt  }
0x70: {  	_ =	shalt  }
0x71: {  	_ =	shalt  }
0x72: {  	_ =	shalt  }
0x73: {  	_ =	shalt  }
0x74: {  	_ =	shalt  }
0x75: {  	_ =	shalt  }
0x76: {  	_ =	shalt  }
0x77: {  	_ =	shalt  }
0x78: {  	_ =	shalt  }
0x79: {  	_ =	shalt  }
0x7a: {  	_ =	shalt  }
0x7b: {  	_ =	shalt  }
0x7c: {  	_ =	shalt  }
0x7d: {  	_ =	shalt  }
0x7e: {  	_ =	shalt  }
0x7f: {  	_ =	shalt  }
0x80: {  	_ =	shalt  }
0x81: {  	_ =	shalt  }
0x82: {  	_ =	shalt  }
0x83: {  	_ =	shalt  }
0x84: {  	_ =	shalt  }
0x85: {  	_ =	shalt  }
0x86: {  	_ =	shalt  }
0x87: {  	_ =	shalt  }
.Lfunc_end0:
.L_simem_size_0:
called_computation_lowered:
.L_overlay_start_0:
0x88: {  	s2 =	sld [smem:$0x3FD9]  }
0x89: {  	s3 =	sld [smem:$0x3FFE];
	_ =	sdelay $0x1  }
0x8a: {  	s1 =	srdreg.scid  }
0x8b: {  	s0 =	sand.u32 $0x1, s1  }
0x8c: {  	s17 =	sshll.u32 s0, $0xA;
	s2 =	sadd.s32 s3, s2  }
0x8d: {  	s2 =	sadd.s32 s2, s17  }
0x8e: {  	[smem:$0x3FC2] =	sst s2  }
0x8f: {  	_ = 	snop  }
0x90: {  	s2 =	sld [smem:$0x3FC7]  }
0x91: {  	s18 =	sld [smem:$0x3FC6]  }
0x92: {  	s4 =	sld [smem:$0x3FC5]  }
0x93: {  	s5 =	sld [smem:$0x3FC4]  }
0x94: {  	s6 =	sld [smem:$0x3FD0];
	(tm) =	ssettm $0x1  }
0x95: {  	s7 =	sld [smem:$0x3FFB];
	_ =	sdelay $0x3  }
0x96: {  	_ =	strace s7  }
0x97: {  	s7 =	sld [smem:$0x3FFC];
	_ =	sdelay $0x3  }
0x98: {  	_ =	strace s7  }
0x99: {  	s7 =	sld [smem:$0x3FFD];
	_ =	sdelay $0x3  }
0x9a: {  	_ =	strace s7  }
0x9b: {  	_ =	strace $0x8FFFFFFF  }
0x9c: {  	s19 =	sld [smem:$0x3FDB];
	_ =	sdelay $0x1  }
0x9d: {  	s8 =	simm.s32 $_scs_section_size  }
0x9e: {  	s9 =	simm.s32 $_size__tile_overlayer_lowered;
	s10 =	simm.s32 $_tile_overlayer_lowered  }
0x9f: {  	s22 =	simm.s32 $0x1BFF;
	s21 =	sshll.u32 s10, $0x1;
	s7 =	sadd.s32 s8, s19  }
0xa0: {  	s11 =	simm.s32 $0x0;
	s20 =	sshll.u32 s9, $0x1;
	s9 =	sadd.s32 s21, s7  }
0xa1: {  	[timem:s11], [sflag:s22] =	dma.local [hbm:s9], s20  }
0xa2: {  	_ =	swait.ge [sflag:s22], s20  }
0xa3: {  	s8 =	ssub.s32 $0x0, s20;
	[sflag:s22] =	ssyncset.done $0x0  }
0xa4: {  	[sflag:s22] =	ssyncadd.s32 s8;
	_ =	sdelay $0x1  }
0xa5: {  	s23 =	simm.s32 $0x1B8B  }
0xa6: {  	_ =	swait.ge [sflag:s23], $0x1  }
0xa7: {  	[sflag:s23] =	ssyncset.done $0x0  }
0xa8: {  	s25 =	simm.s32 $0x1B8E;
	s24 =	sld [smem:$0x3FFE];
	[sflag:s23] =	ssyncadd.s32 $0xFFFFFFFF  }
0xa9: {  	s26 =	simm.s32 $execute0_lowered;
	[smem:$0x3FD2] =	sst s25  }
0xaa: {  	s9 =	sshll.u32 s26, $0x1;
	_ =	strace $0x80000046;
	[dreg:$0x1] =	wrdreg $0xFFFFFFFF  }
0xab: {  	s28 =	simm.s32 $_size_execute0_lowered;
	s7 =	sadd.s32 s7, s9;
	[dreg:$0x0] =	wrdreg $0x0  }
0xac: {  	s9 =	sshll.u32 s28, $0x1;
	[dreg:$0x2] =	wrdreg s7  }
0xad: {  	[dreg:$0x3] =	wrdreg s9  }
0xae: {  	[dreg:$0x4] =	wrdreg $0xC0  }
0xaf: {  	_ =	task [dreg:s11], $0x5FFFF  }
0xb0: {  	[dreg:$0x1] =	wrdreg $0xFFFFFFFF  }
0xb1: {  	[dreg:$0x0] =	wrdreg $0x60  }
0xb2: {  	[dreg:$0x2] =	wrdreg s24  }
0xb3: {  	[dreg:$0x3] =	wrdreg s2  }
0xb4: {  	[dreg:$0x4] =	wrdreg s18  }
0xb5: {  	[dreg:$0x5] =	wrdreg s4  }
0xb6: {  	[dreg:$0x6] =	wrdreg s5  }
0xb7: {  	[dreg:$0x7] =	wrdreg s6  }
0xb8: {  	[dreg:$0x8] =	wrdreg $0x9  }
0xb9: {  	_ =	task.clear_ibuf [dreg:s11], $0x9FFFF;
	_ =	strace $0x90000046  }
0xba: {  	s29 =	simm.s32 $0x9;
	_ =	strace $0x80000048  }
0xbb: {  	_ =	swait.ge [sflag:s29], $0x1  }
0xbc: {  	[sflag:s29] =	ssyncadd.s32 $0xFFFFFFFF  }
0xbd: {  	_ =	strace $0x90000048  }
0xbe: {  	_ =	sfence  }
0xbf: {  	s30 =	sld [smem:$0x0];
	_ =	sdelay $0x2  }
0xc0: {  	s31 =	sshll.u32 s1, $0xD;
	s1 =	sshrl.u32 s1, $0x2  }
0xc1: {  	s3 =	sand.u32 $0x4000, s31;
	s1 =	sadd.s32 s1, s30  }
0xc2: {  	s0 =	sor.u32 s3, s0;
	s1 =	sshll.u32 s1, $0x11  }
0xc3: {  	s0 =	sor.u32 s1, s0  }
0xc4: {  	s0 =	sadd.s32 $0x8F2B, s0  }
0xc5: {  	[sflag:s0] =	ssyncadd.remote.s32 $0x1  }
0xc6: {  	_ =	sfence.sel $0xFFFF  }
0xc7: {  	[dreg:$0x0] =	wrdreg $0xFFFFFFFF;
	(pc) =	sbr.abs _section_cstart, $3  }
0xc8: {  	[dreg:$0x1] =	wrdreg $0xFFFFFFFF  }
0xc9: {  	_ =	task.clear_ibuf [dreg:s11], $0x2FFFF;
	_ =	strace $0x9FFFFFFF  }
0xca: {  	(tm) =	ssettm $0x7FFFFFFF  }
0xcb: {  	_ =	shalt  }
tec
execute0_lowered:
.L_overlay_start_1:
0x0: {  	(tag) =	ssettag $0x1  }
0x1: {  	s0 =	rddreg [dreg:$0x0]  }
0x2: {  	s1 =	rddreg [dreg:$0x1]  }
0x3: {  	s2 =	rddreg [dreg:$0x2]  }
0x4: {  	s3 =	rddreg [dreg:$0x5];
	s4 =	srdreg.scid  }
0x5: {  	s5 =	stileid.u32;
	s6 =	simm.s32 $0x0;
	s11 =	simm.s32 $0x400  }
0x6: {  	s14 =	simm.s32 $0x1;
	s15 =	simm.s32 $0x40;
	s16 =	simm.s32 $0x800  }
0x7: {  	s17 =	simm.s32 $0x4800;
	s19 =	simm.s32 $0x2800;
	s21 =	simm.s32 $0x6800  }
0x8: {  	s22 =	simm.s32 $0x2;
	s25 =	simm.s32 $0x3;
	s29 =	simm.s32 $0x4  }
0x9: {  	s18 =	simm.s32 $0x7;
	s24 =	simm.s32 $0x8;
	s26 =	simm.s32 $0x9  }
0xa: {  	s28 =	simm.s32 $0x8900;
	s30 =	simm.s32 $0x18900;
	s31 =	simm.s32 $0xA  }
0xb: {  	s4 =	sand.u32 $0x1, s4;
	s5 =	sshll.u32 s5, $0x1;
	[smem:$0x7FF] =	sst s6  }
0xc: {  	s5 =	sor.u32 s4, s5;
	s4 =	ssub.s32 $0x2, s4;
	_ =	strace $0x80000047  }
0xd: {  	s7 =	sshll.u32 s5, $0x7;
	s8 =	sshrl.u32 s4, $0x1;
	s5 =	sshll.u32 s5, $0x6  }
0xe: {  	s0 =	sadd.s32 s7, s0;
	s4 =	ssub.s32 s4, s8;
	s9 =	sadd.s32 s3, s5  }
0xf: {  	v0 =	vlaneseq.u32;
	s5 =	simm.s32 $0x6;
	s7 =	sadd.s32 $0x400, s0;
	s8 =	sadd.s32 $0x1400, s0  }
0x10: {  	v0 =	vmul.u32 $0x80, v0;
	s10 =	smax.u32 s4, $0x1;
	s0 =	simm.s32 $0x5;
	s4 =	simm.s32 $0x0  }
.LBB2_1:
0x11: {  	[tilespmem:s6], [sflag:$0x1] =	stream.linear.gather [hbm4b:s7+s6], $0x400, $0x38;
	[tilespmem:$0x18B00] =	vst v63  }
0x12: {  	_ = 	snop  }
0x13: {  	[tilespmem:s11], [sflag:$0x1] =	stream.linear.gather [hbm4b:s8+s6], $0x400, $0x38;
	[tilespmem:$0x18B00] =	vst v63  }
0x14: {  	s3 =	rddreg [dreg:$0x3];
	s12 =	simm.s32 $0x8800  }
0x15: {  	[tilespmem:s12], [sflag:$0x1] =	stream.linear.gather [hbm4b:s3+s6], $0x80, $0x38;
	[tilespmem:$0x18B00] =	vst v63  }
0x16: {  	s13 =	simm.s32 $0x8880;
	s12 =	rddreg [dreg:$0x4]  }
0x17: {  	[tilespmem:s13], [sflag:$0x1] =	stream.linear.gather [hbm4b:s12+s6], $0x80, $0x38;
	[tilespmem:$0x18B00] =	vst v63  }
0x18: {  	_ =	swait.ge [sflag:s14], $0x400  }
0x19: {  	[sflag:s14] =	ssyncset.done $0x0  }
0x1a: {  	[sflag:s14] =	ssyncadd.s32 $0xFFFFFC00  }
0x1b: {  	_ =	swait.ge [sflag:s14], $0x400  }
0x1c: {  	[sflag:s14] =	ssyncset.done $0x0  }
0x1d: {  	[sflag:s14] =	ssyncadd.s32 $0xFFFFFC00  }
0x1e: {  	_ =	swait.ge [sflag:s14], $0x80  }
0x1f: {  	[sflag:s14] =	ssyncset.done $0x0  }
0x20: {  	[sflag:s14] =	ssyncadd.s32 $0xFFFFFF80  }
0x21: {  	_ =	swait.ge [sflag:s14], $0x80  }
0x22: {  	[sflag:s14] =	ssyncset.done $0x0  }
0x23: {  	[sflag:s14] =	ssyncadd.s32 $0xFFFFFF80  }
0x24: {  	v5 =	vld [tilespmem:$0x8800]  }
0x25: {  	v4 =	vld [tilespmem:$0x8810]  }
0x26: {  	v3 =	vld [tilespmem:$0x8820]  }
0x27: {  	v2 =	vld [tilespmem:$0x8830]  }
0x28: {  	v1 =	vld [tilespmem:$0x8880];
	[tilespmem:s16], [sflag:$0x2] =	stream.indirect.gather [hbm4b:s1+s15], $0x80, s6, s15, $0xb8  }
0x29: {  	_ = 	snop  }
0x2a: {  	[tilespmem:s17], [sflag:$0x2] =	stream.indirect.gather [hbm4b:s2+s15], $0x80, s11, s15, $0xb8;
	[tilespmem:$0x18B00] =	vst v63  }
0x2b: {  	s20 =	simm.s32 $0x80  }
0x2c: {  	[tilespmem:s19], [sflag:$0x3] =	stream.indirect.gather [hbm4b:s1+s15], $0x80, s20, s15, $0xb8;
	[tilespmem:$0x18B00] =	vst v63  }
0x2d: {  	s23 =	simm.s32 $0x480  }
0x2e: {  	[tilespmem:s21], [sflag:$0x3] =	stream.indirect.gather [hbm4b:s2+s15], $0x80, s23, s15, $0xb8;
	[tilespmem:$0x18B00] =	vst v63  }
0x2f: {  	_ =	swait.ge [sflag:s22], $0x2000  }
0x30: {  	[sflag:s22] =	ssyncset.done $0x0  }
0x31: {  	[sflag:s22] =	ssyncadd.s32 $0xFFFFE000  }
0x32: {  	_ =	swait.ge [sflag:s22], $0x2000  }
0x33: {  	[sflag:s22] =	ssyncset.done $0x0  }
0x34: {  	s12 =	simm.s32 $0x0;
	[sflag:s22] =	ssyncadd.s32 $0xFFFFE000  }
0x35: {  	v6 =	vld [tilespmem:s12+$0x8A0]  }
0x36: {  	v7 =	vld [tilespmem:s12+$0x880]  }
0x37: {  	v8 =	vld [tilespmem:s12+$0x4880]  }
0x38: {  	v9 =	vld [tilespmem:s12+$0x890]  }
0x39: {  	v10 =	vld [tilespmem:s12+$0x4890]  }
0x3a: {  	v11 =	vld [tilespmem:s12+$0x48A0]  }
0x3b: {  	v12 =	vld [tilespmem:s12+$0x800]  }
0x3c: {  	v13 =	vld [tilespmem:s12+$0x8B0]  }
0x3d: {  	v14 =	vld [tilespmem:s12+$0x48B0]  }
0x3e: {  	v15 =	vld [tilespmem:s12+$0x4800]  }
0x3f: {  	v16 =	vld [tilespmem:s12+$0x4820];
	v7 =	vmul.f32 v8, v7;
	v8 =	vmul.f32 v10, v9  }
0x40: {  	v9 =	vld [tilespmem:s12+$0x810];
	v6 =	vmul.f32 v11, v6  }
0x41: {  	s3 =	simm.s32 $0x100;
	v10 =	vld [tilespmem:s12+$0x4810];
	v7 =	vmul.f32 v7, v5;
	v8 =	vmul.f32 v8, v4  }
0x42: {  	v17 =	vld [tilespmem:s3+$0x880]  }
0x43: {  	v11 =	vld [tilespmem:s12+$0x820];
	v6 =	vmul.f32 v6, v3;
	v7 =	vadd.f32 v8, v7;
	v8 =	vmul.f32 v14, v13  }
0x44: {  	v13 =	vld [tilespmem:s12+$0x830]  }
0x45: {  	v12 =	vmul.f32 v15, v12;
	v14 =	vld [tilespmem:s12+$0x4830];
	v6 =	vadd.f32 v6, v7;
	v7 =	vmul.f32 v8, v2  }
0x46: {  	v18 =	vld [tilespmem:s3+$0x890];
	v9 =	vmul.f32 v10, v9  }
0x47: {  	v19 =	vld [tilespmem:s3+$0x48A0];
	v12 =	vmul.f32 v12, v5;
	v6 =	vadd.f32 v7, v6  }
0x48: {  	v20 =	vld [tilespmem:s3+$0x800];
	v11 =	vmul.f32 v16, v11;
	v9 =	vmul.f32 v9, v4  }
0x49: {  	v7 =	vld [tilespmem:s3+$0x4880];
	(xrf2) =	vadd.scan.msk.f32 $0xffff, v6  }
0x4a: {  	v11 =	vmul.f32 v11, v3;
	v9 =	vadd.f32 v9, v12;
	v12 =	vmul.f32 v14, v13;
	v6 =	vld [tilespmem:s3+$0x4890]  }
0x4b: {  	v8 =	vld [tilespmem:s3+$0x8A0]  }
0x4c: {  	v59 =	vld [tilespmem:s3+$0x4800];
	v11 =	vadd.f32 v11, v9;
	v12 =	vmul.f32 v12, v2  }
0x4d: {  	v15 =	vld [tilespmem:s3+$0x8B0]  }
0x4e: {  	v10 =	vld [tilespmem:s3+$0x48B0];
	v11 =	vadd.f32 v12, v11  }
0x4f: {  	v60 =	vld [tilespmem:s3+$0x810];
	v7 =	vmul.f32 v7, v17;
	v6 =	vmul.f32 v6, v18  }
0x50: {  	v61 =	vld [tilespmem:s3+$0x4810];
	v8 =	vmul.f32 v19, v8;
	(xrf2) =	vadd.scan.msk.f32 $0xffff, v11  }
0x51: {  	v62 =	vld [tilespmem:s3+$0x820];
	v7 =	vmul.f32 v7, v5;
	v6 =	vmul.f32 v6, v4  }
0x52: {  	v14 =	vld [tilespmem:s3+$0x4820]  }
0x53: {  	v10 =	vmul.f32 v10, v15;
	v8 =	vmul.f32 v8, v3;
	v6 =	vadd.f32 v6, v7;
	v13, _, _ =	vpop (xrf2)  }
0x54: {  	v7 =	vld [tilespmem:s3+$0x830];
	[tilespmem:s12+$0x8980] =	vst v13  }
0x55: {  	s13 =	simm.s32 $0x200;
	v10 =	vmul.f32 v10, v2;
	v13 =	vadd.f32 v8, v6;
	v9 =	vld [tilespmem:s3+$0x4830]  }
0x56: {  	v15 =	vmul.f32 v61, v60;
	v12 =	vmul.f32 v59, v20;
	v6 =	vld [tilespmem:s13+$0x8A0]  }
0x57: {  	v14 =	vmul.f32 v14, v62;
	v8 =	vld [tilespmem:s13+$0x880];
	v63 =	vadd.f32 v10, v13  }
0x58: {  	v11 =	vmul.f32 v12, v5;
	v12 =	vld [tilespmem:s13+$0x890];
	v13 =	vmul.f32 v15, v4  }
0x59: {  	s20 =	simm.s32 $0xC00;
	v10 =	vld [tilespmem:s13+$0x4880];
	(xrf2) =	vadd.scan.msk.f32 $0xffff, v63  }
.LBB2_2:
0x5a: {  	p0 =	sne.s32 s20, $0x7C00;
	v15 =	vld [tilespmem:s13+$0x4890];
	v11 =	vadd.f32 v13, v11;
	v13 =	vmul.f32 v14, v3;
	v7 =	vmul.f32 v9, v7;
	v9, _, _ =	vpop (xrf2)  }
0x5b: {  	v14 =	vld [tilespmem:s13+$0x48A0];
	[tilespmem:s12+$0x8900] =	vst v9;
	s12 =	smov.u32 s3;
	s3 =	smov.u32 s13  }
0x5c: {  	v9 =	vld [tilespmem:s3+$0x800];
	v11 =	vadd.f32 v13, v11;
	v7 =	vmul.f32 v7, v2  }
0x5d: {  	v13 =	vld [tilespmem:s3+$0x8B0]  }
0x5e: {  	v16 =	vld [tilespmem:s3+$0x48B0];
	v7 =	vadd.f32 v7, v11  }
0x5f: {  	v8 =	vmul.f32 v10, v8;
	v11 =	vld [tilespmem:s3+$0x4800];
	v10 =	vmul.f32 v15, v12  }
0x60: {  	v12 =	vld [tilespmem:s3+$0x810];
	v6 =	vmul.f32 v14, v6;
	(xrf2) =	vadd.scan.msk.f32 $0xffff, v7  }
0x61: {  	v7 =	vmul.f32 v8, v5;
	v14 =	vld [tilespmem:s3+$0x4810];
	v8 =	vmul.f32 v10, v4  }
0x62: {  	v15 =	vld [tilespmem:s3+$0x820]  }
0x63: {  	v6 =	vmul.f32 v6, v3;
	v17 =	vld [tilespmem:s3+$0x4820];
	v8 =	vadd.f32 v8, v7;
	v10 =	vmul.f32 v16, v13;
	v13, _, _ =	vpop (xrf2)  }
0x64: {  	v11 =	vmul.f32 v11, v9;
	v7 =	vld [tilespmem:s3+$0x830];
	[tilespmem:s12+$0x8980] =	vst v13  }
.Ltmp0:
0x65: {  	s13 =	sshra.s32 s20, $0x2;
	v9 =	vld [tilespmem:s3+$0x4830];
	v13 =	vadd.f32 v6, v8;
	v10 =	vmul.f32 v10, v2;
	(pc) =	sbr.rel @p0 .LBB2_2-.Ltmp0, $4  }
0x66: {  	v6 =	vld [tilespmem:s13+$0x8A0];
	v11 =	vmul.f32 v11, v5;
	v12 =	vmul.f32 v14, v12  }
0x67: {  	v8 =	vld [tilespmem:s13+$0x880];
	v16 =	vadd.f32 v10, v13  }
0x68: {  	v10 =	vld [tilespmem:s13+$0x4880];
	v13 =	vmul.f32 v12, v4;
	v14 =	vmul.f32 v17, v15  }
0x69: {  	s20 =	sadd.s32 $0x400, s20;
	v12 =	vld [tilespmem:s13+$0x890];
	(xrf2) =	vadd.scan.msk.f32 $0xffff, v16  }
0x6a: {  	v15 =	vld [tilespmem:s13+$0x4890];
	v16, _, _ =	vpop (xrf2)  }
0x6b: {  	v17 =	vld [tilespmem:s13+$0x48A0];
	[tilespmem:s12+$0x8900] =	vst v16  }
0x6c: {  	v16 =	vld [tilespmem:s13+$0x800]  }
0x6d: {  	v18 =	vld [tilespmem:s13+$0x8B0]  }
0x6e: {  	v20 =	vld [tilespmem:s13+$0x4800]  }
0x6f: {  	v21 =	vld [tilespmem:s13+$0x810]  }
0x70: {  	v22 =	vld [tilespmem:s13+$0x4810]  }
0x71: {  	v23 =	vld [tilespmem:s13+$0x820]  }
0x72: {  	v7 =	vmul.f32 v9, v7;
	v9 =	vld [tilespmem:s13+$0x4820]  }
0x73: {  	v19 =	vld [tilespmem:s13+$0x48B0];
	v8 =	vmul.f32 v10, v8;
	v10 =	vmul.f32 v15, v12;
	v12, _, _ =	vpop (xrf2)  }
0x74: {  	v7 =	vmul.f32 v7, v2;
	v15 =	vld [tilespmem:s13+$0x830];
	v6 =	vmul.f32 v17, v6;
	[tilespmem:s3+$0x8980] =	vst v12  }
0x75: {  	v11 =	vadd.f32 v13, v11;
	v8 =	vmul.f32 v8, v5;
	v13 =	vmul.f32 v22, v21;
	v53 =	vld [tilespmem:s13+$0x4830]  }
0x76: {  	v12 =	vmul.f32 v14, v3;
	v14 =	vmul.f32 v20, v16  }
0x77: {  	v10 =	vmul.f32 v10, v4;
	v9 =	vmul.f32 v9, v23  }
0x78: {  	v14 =	vmul.f32 v14, v5;
	v11 =	vadd.f32 v12, v11;
	v12 =	vmul.f32 v13, v4  }
0x79: {  	v6 =	vmul.f32 v6, v3;
	v8 =	vadd.f32 v10, v8;
	v10 =	vmul.f32 v19, v18  }
0x7a: {  	v9 =	vmul.f32 v9, v3;
	v12 =	vadd.f32 v12, v14;
	v13 =	vmul.f32 v53, v15  }
0x7b: {  	v6 =	vadd.f32 v6, v8;
	v8 =	vmul.f32 v10, v2  }
0x7c: {  	v7 =	vadd.f32 v7, v11;
	v9 =	vadd.f32 v9, v12;
	v10 =	vmul.f32 v13, v2  }
0x7d: {  	v6 =	vadd.f32 v8, v6  }
0x7e: {  	(xrf2) =	vadd.scan.msk.f32 $0xffff, v7;
	v7 =	vadd.f32 v10, v9  }
0x7f: {  	(xrf2) =	vadd.scan.msk.f32 $0xffff, v6  }
0x80: {  	(xrf2) =	vadd.scan.msk.f32 $0xffff, v7;
	_ =	sdelay $0x7  }
0x81: {  	v6, _, _ =	vpop (xrf2)  }
0x82: {  	[tilespmem:s3+$0x8900] =	vst v6;
	v6, _, _ =	vpop (xrf2)  }
0x83: {  	[tilespmem:s13+$0x8980] =	vst v6;
	v6, _, _ =	vpop (xrf2)  }
0x84: {  	s20 =	simm.s32 $0x100;
	[tilespmem:s13+$0x8900] =	vst v6  }
0x85: {  	[tilespmem:s16], [sflag:$0x4] =	stream.indirect.gather [hbm4b:s1+s15], $0x80, s20, s15, $0xb8;
	[tilespmem:$0x18B00] =	vst v63  }
0x86: {  	s23 =	simm.s32 $0x500  }
0x87: {  	[tilespmem:s17], [sflag:$0x4] =	stream.indirect.gather [hbm4b:s2+s15], $0x80, s23, s15, $0xb8;
	[tilespmem:$0x18B00] =	vst v63  }
0x88: {  	_ =	swait.ge [sflag:s25], $0x2000  }
0x89: {  	[sflag:s25] =	ssyncset.done $0x0  }
0x8a: {  	[sflag:s25] =	ssyncadd.s32 $0xFFFFE000  }
0x8b: {  	_ =	swait.ge [sflag:s25], $0x2000  }
0x8c: {  	[sflag:s25] =	ssyncset.done $0x0  }
0x8d: {  	s12 =	simm.s32 $0x0;
	[sflag:s25] =	ssyncadd.s32 $0xFFFFE000  }
0x8e: {  	v6 =	vld [tilespmem:s12+$0x28A0]  }
0x8f: {  	v7 =	vld [tilespmem:s12+$0x2880]  }
0x90: {  	v8 =	vld [tilespmem:s12+$0x6880]  }
0x91: {  	v9 =	vld [tilespmem:s12+$0x2890]  }
0x92: {  	v10 =	vld [tilespmem:s12+$0x6890]  }
0x93: {  	v11 =	vld [tilespmem:s12+$0x68A0];
	_ =	sdelay $0x1  }
0x94: {  	v13 =	vld [tilespmem:s12+$0x28B0]  }
0x95: {  	v14 =	vld [tilespmem:s12+$0x68B0]  }
0x96: {  	v7 =	vmul.f32 v8, v7;
	v8 =	vmul.f32 v10, v9  }
0x97: {  	v12 =	vld [tilespmem:s12+$0x2800];
	v6 =	vmul.f32 v11, v6  }
0x98: {  	v15 =	vld [tilespmem:s12+$0x6800];
	v7 =	vmul.f32 v7, v5;
	v8 =	vmul.f32 v8, v4  }
0x99: {  	v54 =	vld [tilespmem:s12+$0x6820]  }
0x9a: {  	v9 =	vld [tilespmem:s12+$0x2810];
	v6 =	vmul.f32 v6, v3;
	v7 =	vadd.f32 v8, v7;
	v8 =	vmul.f32 v14, v13  }
0x9b: {  	s3 =	simm.s32 $0x100;
	v10 =	vld [tilespmem:s12+$0x6810]  }
0x9c: {  	v55 =	vld [tilespmem:s3+$0x2880];
	v6 =	vadd.f32 v6, v7;
	v7 =	vmul.f32 v8, v2  }
0x9d: {  	v11 =	vld [tilespmem:s12+$0x2820]  }
0x9e: {  	v13 =	vld [tilespmem:s12+$0x2830];
	v6 =	vadd.f32 v7, v6  }
0x9f: {  	v12 =	vmul.f32 v15, v12;
	v14 =	vld [tilespmem:s12+$0x6830]  }
0xa0: {  	v56 =	vld [tilespmem:s3+$0x2890];
	v9 =	vmul.f32 v10, v9;
	(xrf2) =	vadd.scan.msk.f32 $0xffff, v6  }
0xa1: {  	v57 =	vld [tilespmem:s3+$0x68A0];
	v12 =	vmul.f32 v12, v5  }
0xa2: {  	v58 =	vld [tilespmem:s3+$0x2800];
	v11 =	vmul.f32 v54, v11;
	v9 =	vmul.f32 v9, v4  }
0xa3: {  	v7 =	vld [tilespmem:s3+$0x6880]  }
0xa4: {  	v11 =	vmul.f32 v11, v3;
	v9 =	vadd.f32 v9, v12;
	v12 =	vmul.f32 v14, v13;
	v6 =	vld [tilespmem:s3+$0x6890]  }
0xa5: {  	v8 =	vld [tilespmem:s3+$0x28A0]  }
0xa6: {  	v59 =	vld [tilespmem:s3+$0x6800];
	v11 =	vadd.f32 v11, v9;
	v12 =	vmul.f32 v12, v2  }
0xa7: {  	v15 =	vld [tilespmem:s3+$0x28B0]  }
0xa8: {  	v10 =	vld [tilespmem:s3+$0x68B0];
	v11 =	vadd.f32 v12, v11  }
0xa9: {  	v60 =	vld [tilespmem:s3+$0x2810];
	v7 =	vmul.f32 v7, v55;
	v6 =	vmul.f32 v6, v56  }
0xaa: {  	v61 =	vld [tilespmem:s3+$0x6810];
	v8 =	vmul.f32 v57, v8;
	v13, _, _ =	vpop (xrf2);
	(xrf2) =	vadd.scan.msk.f32 $0xffff, v11  }
0xab: {  	v62 =	vld [tilespmem:s3+$0x2820];
	v7 =	vmul.f32 v7, v5;
	v6 =	vmul.f32 v6, v4  }
0xac: {  	v14 =	vld [tilespmem:s3+$0x6820]  }
0xad: {  	v10 =	vmul.f32 v10, v15;
	v8 =	vmul.f32 v8, v3;
	v6 =	vadd.f32 v6, v7  }
0xae: {  	v7 =	vld [tilespmem:s3+$0x2830];
	[tilespmem:s12+$0xA980] =	vst v13  }
0xaf: {  	s13 =	simm.s32 $0x200;
	v10 =	vmul.f32 v10, v2;
	v13 =	vadd.f32 v8, v6;
	v9 =	vld [tilespmem:s3+$0x6830]  }
0xb0: {  	v15 =	vmul.f32 v61, v60;
	v12 =	vmul.f32 v59, v58;
	v6 =	vld [tilespmem:s13+$0x28A0]  }
0xb1: {  	v14 =	vmul.f32 v14, v62;
	v8 =	vld [tilespmem:s13+$0x2880];
	v63 =	vadd.f32 v10, v13  }
0xb2: {  	v11 =	vmul.f32 v12, v5;
	v12 =	vld [tilespmem:s13+$0x2890];
	v13 =	vmul.f32 v15, v4  }
0xb3: {  	s20 =	simm.s32 $0xC00;
	v10 =	vld [tilespmem:s13+$0x6880];
	(xrf2) =	vadd.scan.msk.f32 $0xffff, v63  }
.LBB2_4:
0xb4: {  	p0 =	sne.s32 s20, $0x7C00;
	v15 =	vld [tilespmem:s13+$0x6890];
	v11 =	vadd.f32 v13, v11;
	v13 =	vmul.f32 v14, v3;
	v7 =	vmul.f32 v9, v7;
	v9, _, _ =	vpop (xrf2)  }
0xb5: {  	v14 =	vld [tilespmem:s13+$0x68A0];
	[tilespmem:s12+$0xA900] =	vst v9;
	s12 =	smov.u32 s3;
	s3 =	smov.u32 s13  }
0xb6: {  	v9 =	vld [tilespmem:s3+$0x2800];
	v11 =	vadd.f32 v13, v11;
	v7 =	vmul.f32 v7, v2  }
0xb7: {  	v13 =	vld [tilespmem:s3+$0x28B0]  }
0xb8: {  	v16 =	vld [tilespmem:s3+$0x68B0];
	v7 =	vadd.f32 v7, v11  }
0xb9: {  	v8 =	vmul.f32 v10, v8;
	v11 =	vld [tilespmem:s3+$0x6800];
	v10 =	vmul.f32 v15, v12  }
0xba: {  	v12 =	vld [tilespmem:s3+$0x2810];
	v6 =	vmul.f32 v14, v6;
	(xrf2) =	vadd.scan.msk.f32 $0xffff, v7  }
0xbb: {  	v7 =	vmul.f32 v8, v5;
	v14 =	vld [tilespmem:s3+$0x6810];
	v8 =	vmul.f32 v10, v4  }
0xbc: {  	v15 =	vld [tilespmem:s3+$0x2820]  }
0xbd: {  	v6 =	vmul.f32 v6, v3;
	v17 =	vld [tilespmem:s3+$0x6820];
	v8 =	vadd.f32 v8, v7;
	v10 =	vmul.f32 v16, v13;
	v13, _, _ =	vpop (xrf2)  }
0xbe: {  	v11 =	vmul.f32 v11, v9;
	v7 =	vld [tilespmem:s3+$0x2830];
	[tilespmem:s12+$0xA980] =	vst v13  }
.Ltmp1:
0xbf: {  	s13 =	sshra.s32 s20, $0x2;
	v9 =	vld [tilespmem:s3+$0x6830];
	v13 =	vadd.f32 v6, v8;
	v10 =	vmul.f32 v10, v2;
	(pc) =	sbr.rel @p0 .LBB2_4-.Ltmp1, $4  }
0xc0: {  	v6 =	vld [tilespmem:s13+$0x28A0];
	v11 =	vmul.f32 v11, v5;
	v12 =	vmul.f32 v14, v12  }
0xc1: {  	v8 =	vld [tilespmem:s13+$0x2880];
	v16 =	vadd.f32 v10, v13  }
0xc2: {  	v10 =	vld [tilespmem:s13+$0x6880];
	v13 =	vmul.f32 v12, v4;
	v14 =	vmul.f32 v17, v15  }
0xc3: {  	s20 =	sadd.s32 $0x400, s20;
	v12 =	vld [tilespmem:s13+$0x2890];
	(xrf2) =	vadd.scan.msk.f32 $0xffff, v16  }
0xc4: {  	v15 =	vld [tilespmem:s13+$0x6890];
	v16, _, _ =	vpop (xrf2)  }
0xc5: {  	v17 =	vld [tilespmem:s13+$0x68A0];
	[tilespmem:s12+$0xA900] =	vst v16  }
0xc6: {  	v16 =	vld [tilespmem:s13+$0x2800]  }
0xc7: {  	v18 =	vld [tilespmem:s13+$0x28B0]  }
0xc8: {  	v20 =	vld [tilespmem:s13+$0x6800]  }
0xc9: {  	v21 =	vld [tilespmem:s13+$0x2810]  }
0xca: {  	v22 =	vld [tilespmem:s13+$0x6810]  }
0xcb: {  	v23 =	vld [tilespmem:s13+$0x2820]  }
0xcc: {  	v7 =	vmul.f32 v9, v7;
	v9 =	vld [tilespmem:s13+$0x6820]  }
0xcd: {  	v19 =	vld [tilespmem:s13+$0x68B0];
	v8 =	vmul.f32 v10, v8;
	v10 =	vmul.f32 v15, v12;
	v12, _, _ =	vpop (xrf2)  }
0xce: {  	v7 =	vmul.f32 v7, v2;
	v15 =	vld [tilespmem:s13+$0x2830];
	v6 =	vmul.f32 v17, v6;
	[tilespmem:s3+$0xA980] =	vst v12  }
0xcf: {  	v11 =	vadd.f32 v13, v11;
	v8 =	vmul.f32 v8, v5;
	v13 =	vmul.f32 v22, v21;
	v53 =	vld [tilespmem:s13+$0x6830]  }
0xd0: {  	v12 =	vmul.f32 v14, v3;
	v14 =	vmul.f32 v20, v16  }
0xd1: {  	v10 =	vmul.f32 v10, v4;
	v9 =	vmul.f32 v9, v23  }
0xd2: {  	v14 =	vmul.f32 v14, v5;
	v11 =	vadd.f32 v12, v11;
	v12 =	vmul.f32 v13, v4  }
0xd3: {  	v6 =	vmul.f32 v6, v3;
	v8 =	vadd.f32 v10, v8;
	v10 =	vmul.f32 v19, v18  }
0xd4: {  	v9 =	vmul.f32 v9, v3;
	v12 =	vadd.f32 v12, v14;
	v13 =	vmul.f32 v53, v15  }
0xd5: {  	v6 =	vadd.f32 v6, v8;
	v8 =	vmul.f32 v10, v2  }
0xd6: {  	v7 =	vadd.f32 v7, v11;
	v9 =	vadd.f32 v9, v12;
	v10 =	vmul.f32 v13, v2  }
0xd7: {  	v6 =	vadd.f32 v8, v6  }
0xd8: {  	(xrf2) =	vadd.scan.msk.f32 $0xffff, v7;
	v7 =	vadd.f32 v10, v9  }
0xd9: {  	(xrf2) =	vadd.scan.msk.f32 $0xffff, v6  }
0xda: {  	(xrf2) =	vadd.scan.msk.f32 $0xffff, v7;
	_ =	sdelay $0x7  }
0xdb: {  	v6, _, _ =	vpop (xrf2)  }
0xdc: {  	[tilespmem:s3+$0xA900] =	vst v6;
	v6, _, _ =	vpop (xrf2)  }
0xdd: {  	[tilespmem:s13+$0xA980] =	vst v6;
	v6, _, _ =	vpop (xrf2)  }
0xde: {  	s20 =	simm.s32 $0x180;
	[tilespmem:s13+$0xA900] =	vst v6  }
0xdf: {  	[tilespmem:s19], [sflag:$0x5] =	stream.indirect.gather [hbm4b:s1+s15], $0x80, s20, s15, $0xb8;
	[tilespmem:$0x18B00] =	vst v63  }
0xe0: {  	s23 =	simm.s32 $0x580  }
0xe1: {  	[tilespmem:s21], [sflag:$0x5] =	stream.indirect.gather [hbm4b:s2+s15], $0x80, s23, s15, $0xb8;
	[tilespmem:$0x18B00] =	vst v63  }
0xe2: {  	_ =	swait.ge [sflag:s29], $0x2000  }
0xe3: {  	[sflag:s29] =	ssyncset.done $0x0  }
0xe4: {  	[sflag:s29] =	ssyncadd.s32 $0xFFFFE000  }
0xe5: {  	_ =	swait.ge [sflag:s29], $0x2000  }
0xe6: {  	[sflag:s29] =	ssyncset.done $0x0  }
0xe7: {  	s12 =	simm.s32 $0x0;
	[sflag:s29] =	ssyncadd.s32 $0xFFFFE000  }
0xe8: {  	v6 =	vld [tilespmem:s12+$0x8A0]  }
0xe9: {  	v7 =	vld [tilespmem:s12+$0x880]  }
0xea: {  	v8 =	vld [tilespmem:s12+$0x4880]  }
0xeb: {  	v9 =	vld [tilespmem:s12+$0x890]  }
0xec: {  	v10 =	vld [tilespmem:s12+$0x4890]  }
0xed: {  	v11 =	vld [tilespmem:s12+$0x48A0];
	_ =	sdelay $0x1  }
0xee: {  	v13 =	vld [tilespmem:s12+$0x8B0]  }
0xef: {  	v14 =	vld [tilespmem:s12+$0x48B0]  }
0xf0: {  	v7 =	vmul.f32 v8, v7;
	v8 =	vmul.f32 v10, v9  }
0xf1: {  	v12 =	vld [tilespmem:s12+$0x800];
	v6 =	vmul.f32 v11, v6  }
0xf2: {  	v15 =	vld [tilespmem:s12+$0x4800];
	v7 =	vmul.f32 v7, v5;
	v8 =	vmul.f32 v8, v4  }
0xf3: {  	v54 =	vld [tilespmem:s12+$0x4820]  }
0xf4: {  	v9 =	vld [tilespmem:s12+$0x810];
	v6 =	vmul.f32 v6, v3;
	v7 =	vadd.f32 v8, v7;
	v8 =	vmul.f32 v14, v13  }
0xf5: {  	s3 =	simm.s32 $0x100;
	v10 =	vld [tilespmem:s12+$0x4810]  }
0xf6: {  	v55 =	vld [tilespmem:s3+$0x880];
	v6 =	vadd.f32 v6, v7;
	v7 =	vmul.f32 v8, v2  }
0xf7: {  	v11 =	vld [tilespmem:s12+$0x820]  }
0xf8: {  	v13 =	vld [tilespmem:s12+$0x830];
	v6 =	vadd.f32 v7, v6  }
0xf9: {  	v12 =	vmul.f32 v15, v12;
	v14 =	vld [tilespmem:s12+$0x4830]  }
0xfa: {  	v56 =	vld [tilespmem:s3+$0x890];
	v9 =	vmul.f32 v10, v9;
	(xrf2) =	vadd.scan.msk.f32 $0xffff, v6  }
0xfb: {  	v57 =	vld [tilespmem:s3+$0x48A0];
	v12 =	vmul.f32 v12, v5  }
0xfc: {  	v58 =	vld [tilespmem:s3+$0x800];
	v11 =	vmul.f32 v54, v11;
	v9 =	vmul.f32 v9, v4  }
0xfd: {  	v7 =	vld [tilespmem:s3+$0x4880]  }
0xfe: {  	v11 =	vmul.f32 v11, v3;
	v9 =	vadd.f32 v9, v12;
	v12 =	vmul.f32 v14, v13;
	v6 =	vld [tilespmem:s3+$0x4890]  }
0xff: {  	v8 =	vld [tilespmem:s3+$0x8A0]  }
0x100: {  	v59 =	vld [tilespmem:s3+$0x4800];
	v11 =	vadd.f32 v11, v9;
	v12 =	vmul.f32 v12, v2  }
0x101: {  	v15 =	vld [tilespmem:s3+$0x8B0]  }
0x102: {  	v10 =	vld [tilespmem:s3+$0x48B0];
	v11 =	vadd.f32 v12, v11  }
0x103: {  	v60 =	vld [tilespmem:s3+$0x810];
	v7 =	vmul.f32 v7, v55;
	v6 =	vmul.f32 v6, v56  }
0x104: {  	v61 =	vld [tilespmem:s3+$0x4810];
	v8 =	vmul.f32 v57, v8;
	v13, _, _ =	vpop (xrf2);
	(xrf2) =	vadd.scan.msk.f32 $0xffff, v11  }
0x105: {  	v62 =	vld [tilespmem:s3+$0x820];
	v7 =	vmul.f32 v7, v5;
	v6 =	vmul.f32 v6, v4  }
0x106: {  	v14 =	vld [tilespmem:s3+$0x4820]  }
0x107: {  	v10 =	vmul.f32 v10, v15;
	v8 =	vmul.f32 v8, v3;
	v6 =	vadd.f32 v6, v7  }
0x108: {  	v7 =	vld [tilespmem:s3+$0x830];
	[tilespmem:s12+$0xC980] =	vst v13  }
0x109: {  	s13 =	simm.s32 $0x200;
	v10 =	vmul.f32 v10, v2;
	v13 =	vadd.f32 v8, v6;
	v9 =	vld [tilespmem:s3+$0x4830]  }
0x10a: {  	v15 =	vmul.f32 v61, v60;
	v12 =	vmul.f32 v59, v58;
	v6 =	vld [tilespmem:s13+$0x8A0]  }
0x10b: {  	v14 =	vmul.f32 v14, v62;
	v8 =	vld [tilespmem:s13+$0x880];
	v63 =	vadd.f32 v10, v13  }
0x10c: {  	v11 =	vmul.f32 v12, v5;
	v12 =	vld [tilespmem:s13+$0x890];
	v13 =	vmul.f32 v15, v4  }
0x10d: {  	s20 =	simm.s32 $0xC00;
	v10 =	vld [tilespmem:s13+$0x4880];
	(xrf2) =	vadd.scan.msk.f32 $0xffff, v63  }
.LBB2_6:
0x10e: {  	p0 =	sne.s32 s20, $0x7C00;
	v15 =	vld [tilespmem:s13+$0x4890];
	v11 =	vadd.f32 v13, v11;
	v13 =	vmul.f32 v14, v3;
	v7 =	vmul.f32 v9, v7;
	v9, _, _ =	vpop (xrf2)  }
0x10f: {  	v14 =	vld [tilespmem:s13+$0x48A0];
	[tilespmem:s12+$0xC900] =	vst v9;
	s12 =	smov.u32 s3;
	s3 =	smov.u32 s13  }
0x110: {  	v9 =	vld [tilespmem:s3+$0x800];
	v11 =	vadd.f32 v13, v11;
	v7 =	vmul.f32 v7, v2  }
0x111: {  	v13 =	vld [tilespmem:s3+$0x8B0]  }
0x112: {  	v16 =	vld [tilespmem:s3+$0x48B0];
	v7 =	vadd.f32 v7, v11  }
0x113: {  	v8 =	vmul.f32 v10, v8;
	v11 =	vld [tilespmem:s3+$0x4800];
	v10 =	vmul.f32 v15, v12  }
0x114: {  	v12 =	vld [tilespmem:s3+$0x810];
	v6 =	vmul.f32 v14, v6;
	(xrf2) =	vadd.scan.msk.f32 $0xffff, v7  }
0x115: {  	v7 =	vmul.f32 v8, v5;
	v14 =	vld [tilespmem:s3+$0x4810];
	v8 =	vmul.f32 v10, v4  }
0x116: {  	v15 =	vld [tilespmem:s3+$0x820]  }
0x117: {  	v6 =	vmul.f32 v6, v3;
	v17 =	vld [tilespmem:s3+$0x4820];
	v8 =	vadd.f32 v8, v7;
	v10 =	vmul.f32 v16, v13;
	v13, _, _ =	vpop (xrf2)  }
0x118: {  	v11 =	vmul.f32 v11, v9;
	v7 =	vld [tilespmem:s3+$0x830];
	[tilespmem:s12+$0xC980] =	vst v13  }
.Ltmp2:
0x119: {  	s13 =	sshra.s32 s20, $0x2;
	v9 =	vld [tilespmem:s3+$0x4830];
	v13 =	vadd.f32 v6, v8;
	v10 =	vmul.f32 v10, v2;
	(pc) =	sbr.rel @p0 .LBB2_6-.Ltmp2, $4  }
0x11a: {  	v6 =	vld [tilespmem:s13+$0x8A0];
	v11 =	vmul.f32 v11, v5;
	v12 =	vmul.f32 v14, v12  }
0x11b: {  	v8 =	vld [tilespmem:s13+$0x880];
	v16 =	vadd.f32 v10, v13  }
0x11c: {  	v10 =	vld [tilespmem:s13+$0x4880];
	v13 =	vmul.f32 v12, v4;
	v14 =	vmul.f32 v17, v15  }
0x11d: {  	s20 =	sadd.s32 $0x400, s20;
	v12 =	vld [tilespmem:s13+$0x890];
	(xrf2) =	vadd.scan.msk.f32 $0xffff, v16  }
0x11e: {  	v15 =	vld [tilespmem:s13+$0x4890];
	v16, _, _ =	vpop (xrf2)  }
0x11f: {  	v17 =	vld [tilespmem:s13+$0x48A0];
	[tilespmem:s12+$0xC900] =	vst v16  }
0x120: {  	v16 =	vld [tilespmem:s13+$0x800]  }
0x121: {  	v18 =	vld [tilespmem:s13+$0x8B0]  }
0x122: {  	v20 =	vld [tilespmem:s13+$0x4800]  }
0x123: {  	v21 =	vld [tilespmem:s13+$0x810]  }
0x124: {  	v22 =	vld [tilespmem:s13+$0x4810]  }
0x125: {  	v23 =	vld [tilespmem:s13+$0x820]  }
0x126: {  	v7 =	vmul.f32 v9, v7;
	v9 =	vld [tilespmem:s13+$0x4820]  }
0x127: {  	v19 =	vld [tilespmem:s13+$0x48B0];
	v8 =	vmul.f32 v10, v8;
	v10 =	vmul.f32 v15, v12;
	v12, _, _ =	vpop (xrf2)  }
0x128: {  	v7 =	vmul.f32 v7, v2;
	v15 =	vld [tilespmem:s13+$0x830];
	v6 =	vmul.f32 v17, v6;
	[tilespmem:s3+$0xC980] =	vst v12  }
0x129: {  	v11 =	vadd.f32 v13, v11;
	v8 =	vmul.f32 v8, v5;
	v13 =	vmul.f32 v22, v21;
	v53 =	vld [tilespmem:s13+$0x4830]  }
0x12a: {  	v12 =	vmul.f32 v14, v3;
	v14 =	vmul.f32 v20, v16  }
0x12b: {  	v10 =	vmul.f32 v10, v4;
	v9 =	vmul.f32 v9, v23  }
0x12c: {  	v14 =	vmul.f32 v14, v5;
	v11 =	vadd.f32 v12, v11;
	v12 =	vmul.f32 v13, v4  }
0x12d: {  	v6 =	vmul.f32 v6, v3;
	v8 =	vadd.f32 v10, v8;
	v10 =	vmul.f32 v19, v18  }
0x12e: {  	v9 =	vmul.f32 v9, v3;
	v12 =	vadd.f32 v12, v14;
	v13 =	vmul.f32 v53, v15  }
0x12f: {  	v6 =	vadd.f32 v6, v8;
	v8 =	vmul.f32 v10, v2  }
0x130: {  	v7 =	vadd.f32 v7, v11;
	v9 =	vadd.f32 v9, v12;
	v10 =	vmul.f32 v13, v2  }
0x131: {  	v6 =	vadd.f32 v8, v6  }
0x132: {  	(xrf2) =	vadd.scan.msk.f32 $0xffff, v7;
	v7 =	vadd.f32 v10, v9  }
0x133: {  	(xrf2) =	vadd.scan.msk.f32 $0xffff, v6  }
0x134: {  	(xrf2) =	vadd.scan.msk.f32 $0xffff, v7;
	_ =	sdelay $0x7  }
0x135: {  	v6, _, _ =	vpop (xrf2)  }
0x136: {  	[tilespmem:s3+$0xC900] =	vst v6;
	v6, _, _ =	vpop (xrf2)  }
0x137: {  	[tilespmem:s13+$0xC980] =	vst v6;
	v6, _, _ =	vpop (xrf2)  }
0x138: {  	s20 =	simm.s32 $0x200;
	[tilespmem:s13+$0xC900] =	vst v6  }
0x139: {  	[tilespmem:s16], [sflag:$0x6] =	stream.indirect.gather [hbm4b:s1+s15], $0x80, s20, s15, $0xb8;
	[tilespmem:$0x18B00] =	vst v63  }
0x13a: {  	s23 =	simm.s32 $0x600  }
0x13b: {  	[tilespmem:s17], [sflag:$0x6] =	stream.indirect.gather [hbm4b:s2+s15], $0x80, s23, s15, $0xb8;
	[tilespmem:$0x18B00] =	vst v63  }
0x13c: {  	_ =	swait.ge [sflag:s0], $0x2000  }
0x13d: {  	[sflag:s0] =	ssyncset.done $0x0  }
0x13e: {  	[sflag:s0] =	ssyncadd.s32 $0xFFFFE000  }
0x13f: {  	_ =	swait.ge [sflag:s0], $0x2000  }
0x140: {  	[sflag:s0] =	ssyncset.done $0x0  }
0x141: {  	s12 =	simm.s32 $0x0;
	[sflag:s0] =	ssyncadd.s32 $0xFFFFE000  }
0x142: {  	v6 =	vld [tilespmem:s12+$0x28A0]  }
0x143: {  	v7 =	vld [tilespmem:s12+$0x2880]  }
0x144: {  	v8 =	vld [tilespmem:s12+$0x6880]  }
0x145: {  	v9 =	vld [tilespmem:s12+$0x2890]  }
0x146: {  	v10 =	vld [tilespmem:s12+$0x6890]  }
0x147: {  	v11 =	vld [tilespmem:s12+$0x68A0];
	_ =	sdelay $0x1  }
0x148: {  	v13 =	vld [tilespmem:s12+$0x28B0]  }
0x149: {  	v14 =	vld [tilespmem:s12+$0x68B0]  }
0x14a: {  	v7 =	vmul.f32 v8, v7;
	v8 =	vmul.f32 v10, v9  }
0x14b: {  	v12 =	vld [tilespmem:s12+$0x2800];
	v6 =	vmul.f32 v11, v6  }
0x14c: {  	v15 =	vld [tilespmem:s12+$0x6800];
	v7 =	vmul.f32 v7, v5;
	v8 =	vmul.f32 v8, v4  }
0x14d: {  	v54 =	vld [tilespmem:s12+$0x6820]  }
0x14e: {  	v9 =	vld [tilespmem:s12+$0x2810];
	v6 =	vmul.f32 v6, v3;
	v7 =	vadd.f32 v8, v7;
	v8 =	vmul.f32 v14, v13  }
0x14f: {  	s3 =	simm.s32 $0x100;
	v10 =	vld [tilespmem:s12+$0x6810]  }
0x150: {  	v55 =	vld [tilespmem:s3+$0x2880];
	v6 =	vadd.f32 v6, v7;
	v7 =	vmul.f32 v8, v2  }
0x151: {  	v11 =	vld [tilespmem:s12+$0x2820]  }
0x152: {  	v13 =	vld [tilespmem:s12+$0x2830];
	v6 =	vadd.f32 v7, v6  }
0x153: {  	v12 =	vmul.f32 v15, v12;
	v14 =	vld [tilespmem:s12+$0x6830]  }
0x154: {  	v56 =	vld [tilespmem:s3+$0x2890];
	v9 =	vmul.f32 v10, v9;
	(xrf2) =	vadd.scan.msk.f32 $0xffff, v6  }
0x155: {  	v57 =	vld [tilespmem:s3+$0x68A0];
	v12 =	vmul.f32 v12, v5  }
0x156: {  	v58 =	vld [tilespmem:s3+$0x2800];
	v11 =	vmul.f32 v54, v11;
	v9 =	vmul.f32 v9, v4  }
0x157: {  	v7 =	vld [tilespmem:s3+$0x6880]  }
0x158: {  	v11 =	vmul.f32 v11, v3;
	v9 =	vadd.f32 v9, v12;
	v12 =	vmul.f32 v14, v13;
	v6 =	vld [tilespmem:s3+$0x6890]  }
0x159: {  	v8 =	vld [tilespmem:s3+$0x28A0]  }
0x15a: {  	v59 =	vld [tilespmem:s3+$0x6800];
	v11 =	vadd.f32 v11, v9;
	v12 =	vmul.f32 v12, v2  }
0x15b: {  	v15 =	vld [tilespmem:s3+$0x28B0]  }
0x15c: {  	v10 =	vld [tilespmem:s3+$0x68B0];
	v11 =	vadd.f32 v12, v11  }
0x15d: {  	v60 =	vld [tilespmem:s3+$0x2810];
	v7 =	vmul.f32 v7, v55;
	v6 =	vmul.f32 v6, v56  }
0x15e: {  	v61 =	vld [tilespmem:s3+$0x6810];
	v8 =	vmul.f32 v57, v8;
	v13, _, _ =	vpop (xrf2);
	(xrf2) =	vadd.scan.msk.f32 $0xffff, v11  }
0x15f: {  	v62 =	vld [tilespmem:s3+$0x2820];
	v7 =	vmul.f32 v7, v5;
	v6 =	vmul.f32 v6, v4  }
0x160: {  	v14 =	vld [tilespmem:s3+$0x6820]  }
0x161: {  	v10 =	vmul.f32 v10, v15;
	v8 =	vmul.f32 v8, v3;
	v6 =	vadd.f32 v6, v7  }
0x162: {  	v7 =	vld [tilespmem:s3+$0x2830];
	[tilespmem:s12+$0xE980] =	vst v13  }
0x163: {  	s13 =	simm.s32 $0x200;
	v10 =	vmul.f32 v10, v2;
	v13 =	vadd.f32 v8, v6;
	v9 =	vld [tilespmem:s3+$0x6830]  }
0x164: {  	v15 =	vmul.f32 v61, v60;
	v12 =	vmul.f32 v59, v58;
	v6 =	vld [tilespmem:s13+$0x28A0]  }
0x165: {  	v14 =	vmul.f32 v14, v62;
	v8 =	vld [tilespmem:s13+$0x2880];
	v63 =	vadd.f32 v10, v13  }
0x166: {  	v11 =	vmul.f32 v12, v5;
	v12 =	vld [tilespmem:s13+$0x2890];
	v13 =	vmul.f32 v15, v4  }
0x167: {  	s20 =	simm.s32 $0xC00;
	v10 =	vld [tilespmem:s13+$0x6880];
	(xrf2) =	vadd.scan.msk.f32 $0xffff, v63  }
.LBB2_8:
0x168: {  	p0 =	sne.s32 s20, $0x7C00;
	v15 =	vld [tilespmem:s13+$0x6890];
	v11 =	vadd.f32 v13, v11;
	v13 =	vmul.f32 v14, v3;
	v7 =	vmul.f32 v9, v7;
	v9, _, _ =	vpop (xrf2)  }
0x169: {  	v14 =	vld [tilespmem:s13+$0x68A0];
	[tilespmem:s12+$0xE900] =	vst v9;
	s12 =	smov.u32 s3;
	s3 =	smov.u32 s13  }
0x16a: {  	v9 =	vld [tilespmem:s3+$0x2800];
	v11 =	vadd.f32 v13, v11;
	v7 =	vmul.f32 v7, v2  }
0x16b: {  	v13 =	vld [tilespmem:s3+$0x28B0]  }
0x16c: {  	v16 =	vld [tilespmem:s3+$0x68B0];
	v7 =	vadd.f32 v7, v11  }
0x16d: {  	v8 =	vmul.f32 v10, v8;
	v11 =	vld [tilespmem:s3+$0x6800];
	v10 =	vmul.f32 v15, v12  }
0x16e: {  	v12 =	vld [tilespmem:s3+$0x2810];
	v6 =	vmul.f32 v14, v6;
	(xrf2) =	vadd.scan.msk.f32 $0xffff, v7  }
0x16f: {  	v7 =	vmul.f32 v8, v5;
	v14 =	vld [tilespmem:s3+$0x6810];
	v8 =	vmul.f32 v10, v4  }
0x170: {  	v15 =	vld [tilespmem:s3+$0x2820]  }
0x171: {  	v6 =	vmul.f32 v6, v3;
	v17 =	vld [tilespmem:s3+$0x6820];
	v8 =	vadd.f32 v8, v7;
	v10 =	vmul.f32 v16, v13;
	v13, _, _ =	vpop (xrf2)  }
0x172: {  	v11 =	vmul.f32 v11, v9;
	v7 =	vld [tilespmem:s3+$0x2830];
	[tilespmem:s12+$0xE980] =	vst v13  }
.Ltmp3:
0x173: {  	s13 =	sshra.s32 s20, $0x2;
	v9 =	vld [tilespmem:s3+$0x6830];
	v13 =	vadd.f32 v6, v8;
	v10 =	vmul.f32 v10, v2;
	(pc) =	sbr.rel @p0 .LBB2_8-.Ltmp3, $4  }
0x174: {  	v6 =	vld [tilespmem:s13+$0x28A0];
	v11 =	vmul.f32 v11, v5;
	v12 =	vmul.f32 v14, v12  }
0x175: {  	v8 =	vld [tilespmem:s13+$0x2880];
	v16 =	vadd.f32 v10, v13  }
0x176: {  	v10 =	vld [tilespmem:s13+$0x6880];
	v13 =	vmul.f32 v12, v4;
	v14 =	vmul.f32 v17, v15  }
0x177: {  	s20 =	sadd.s32 $0x400, s20;
	v12 =	vld [tilespmem:s13+$0x2890];
	(xrf2) =	vadd.scan.msk.f32 $0xffff, v16  }
0x178: {  	v15 =	vld [tilespmem:s13+$0x6890];
	v16, _, _ =	vpop (xrf2)  }
0x179: {  	v17 =	vld [tilespmem:s13+$0x68A0];
	[tilespmem:s12+$0xE900] =	vst v16  }
0x17a: {  	v16 =	vld [tilespmem:s13+$0x2800]  }
0x17b: {  	v18 =	vld [tilespmem:s13+$0x28B0]  }
0x17c: {  	v20 =	vld [tilespmem:s13+$0x6800]  }
0x17d: {  	v21 =	vld [tilespmem:s13+$0x2810]  }
0x17e: {  	v22 =	vld [tilespmem:s13+$0x6810]  }
0x17f: {  	v23 =	vld [tilespmem:s13+$0x2820]  }
0x180: {  	v7 =	vmul.f32 v9, v7;
	v9 =	vld [tilespmem:s13+$0x6820]  }
0x181: {  	v19 =	vld [tilespmem:s13+$0x68B0];
	v8 =	vmul.f32 v10, v8;
	v10 =	vmul.f32 v15, v12;
	v12, _, _ =	vpop (xrf2)  }
0x182: {  	v7 =	vmul.f32 v7, v2;
	v15 =	vld [tilespmem:s13+$0x2830];
	v6 =	vmul.f32 v17, v6;
	[tilespmem:s3+$0xE980] =	vst v12  }
0x183: {  	v11 =	vadd.f32 v13, v11;
	v8 =	vmul.f32 v8, v5;
	v13 =	vmul.f32 v22, v21;
	v53 =	vld [tilespmem:s13+$0x6830]  }
0x184: {  	v12 =	vmul.f32 v14, v3;
	v14 =	vmul.f32 v20, v16  }
0x185: {  	v10 =	vmul.f32 v10, v4;
	v9 =	vmul.f32 v9, v23  }
0x186: {  	v14 =	vmul.f32 v14, v5;
	v11 =	vadd.f32 v12, v11;
	v12 =	vmul.f32 v13, v4  }
0x187: {  	v6 =	vmul.f32 v6, v3;
	v8 =	vadd.f32 v10, v8;
	v10 =	vmul.f32 v19, v18  }
0x188: {  	v9 =	vmul.f32 v9, v3;
	v12 =	vadd.f32 v12, v14;
	v13 =	vmul.f32 v53, v15  }
0x189: {  	v6 =	vadd.f32 v6, v8;
	v8 =	vmul.f32 v10, v2  }
0x18a: {  	v7 =	vadd.f32 v7, v11;
	v9 =	vadd.f32 v9, v12;
	v10 =	vmul.f32 v13, v2  }
0x18b: {  	v6 =	vadd.f32 v8, v6  }
0x18c: {  	(xrf2) =	vadd.scan.msk.f32 $0xffff, v7;
	v7 =	vadd.f32 v10, v9  }
0x18d: {  	(xrf2) =	vadd.scan.msk.f32 $0xffff, v6  }
0x18e: {  	(xrf2) =	vadd.scan.msk.f32 $0xffff, v7;
	_ =	sdelay $0x7  }
0x18f: {  	v6, _, _ =	vpop (xrf2)  }
0x190: {  	[tilespmem:s3+$0xE900] =	vst v6;
	v6, _, _ =	vpop (xrf2)  }
0x191: {  	[tilespmem:s13+$0xE980] =	vst v6;
	v6, _, _ =	vpop (xrf2)  }
0x192: {  	s20 =	simm.s32 $0x280;
	[tilespmem:s13+$0xE900] =	vst v6  }
0x193: {  	[tilespmem:s19], [sflag:$0x7] =	stream.indirect.gather [hbm4b:s1+s15], $0x80, s20, s15, $0xb8;
	[tilespmem:$0x18B00] =	vst v63  }
0x194: {  	s23 =	simm.s32 $0x680  }
0x195: {  	[tilespmem:s21], [sflag:$0x7] =	stream.indirect.gather [hbm4b:s2+s15], $0x80, s23, s15, $0xb8;
	[tilespmem:$0x18B00] =	vst v63  }
0x196: {  	_ =	swait.ge [sflag:s5], $0x2000  }
0x197: {  	[sflag:s5] =	ssyncset.done $0x0  }
0x198: {  	[sflag:s5] =	ssyncadd.s32 $0xFFFFE000  }
0x199: {  	_ =	swait.ge [sflag:s5], $0x2000  }
0x19a: {  	[sflag:s5] =	ssyncset.done $0x0  }
0x19b: {  	s12 =	simm.s32 $0x0;
	[sflag:s5] =	ssyncadd.s32 $0xFFFFE000  }
0x19c: {  	v6 =	vld [tilespmem:s12+$0x8A0]  }
0x19d: {  	v7 =	vld [tilespmem:s12+$0x880]  }
0x19e: {  	v8 =	vld [tilespmem:s12+$0x4880]  }
0x19f: {  	v9 =	vld [tilespmem:s12+$0x890]  }
0x1a0: {  	v10 =	vld [tilespmem:s12+$0x4890]  }
0x1a1: {  	v11 =	vld [tilespmem:s12+$0x48A0];
	_ =	sdelay $0x1  }
0x1a2: {  	v13 =	vld [tilespmem:s12+$0x8B0]  }
0x1a3: {  	v14 =	vld [tilespmem:s12+$0x48B0]  }
0x1a4: {  	v7 =	vmul.f32 v8, v7;
	v8 =	vmul.f32 v10, v9  }
0x1a5: {  	v12 =	vld [tilespmem:s12+$0x800];
	v6 =	vmul.f32 v11, v6  }
0x1a6: {  	v15 =	vld [tilespmem:s12+$0x4800];
	v7 =	vmul.f32 v7, v5;
	v8 =	vmul.f32 v8, v4  }
0x1a7: {  	v54 =	vld [tilespmem:s12+$0x4820]  }
0x1a8: {  	v9 =	vld [tilespmem:s12+$0x810];
	v6 =	vmul.f32 v6, v3;
	v7 =	vadd.f32 v8, v7;
	v8 =	vmul.f32 v14, v13  }
0x1a9: {  	s3 =	simm.s32 $0x100;
	v10 =	vld [tilespmem:s12+$0x4810]  }
0x1aa: {  	v55 =	vld [tilespmem:s3+$0x880];
	v6 =	vadd.f32 v6, v7;
	v7 =	vmul.f32 v8, v2  }
0x1ab: {  	v11 =	vld [tilespmem:s12+$0x820]  }
0x1ac: {  	v13 =	vld [tilespmem:s12+$0x830];
	v6 =	vadd.f32 v7, v6  }
0x1ad: {  	v12 =	vmul.f32 v15, v12;
	v14 =	vld [tilespmem:s12+$0x4830]  }
0x1ae: {  	v56 =	vld [tilespmem:s3+$0x890];
	v9 =	vmul.f32 v10, v9;
	(xrf2) =	vadd.scan.msk.f32 $0xffff, v6  }
0x1af: {  	v57 =	vld [tilespmem:s3+$0x48A0];
	v12 =	vmul.f32 v12, v5  }
0x1b0: {  	v58 =	vld [tilespmem:s3+$0x800];
	v11 =	vmul.f32 v54, v11;
	v9 =	vmul.f32 v9, v4  }
0x1b1: {  	v7 =	vld [tilespmem:s3+$0x4880]  }
0x1b2: {  	v11 =	vmul.f32 v11, v3;
	v9 =	vadd.f32 v9, v12;
	v12 =	vmul.f32 v14, v13;
	v6 =	vld [tilespmem:s3+$0x4890]  }
0x1b3: {  	v8 =	vld [tilespmem:s3+$0x8A0]  }
0x1b4: {  	v59 =	vld [tilespmem:s3+$0x4800];
	v11 =	vadd.f32 v11, v9;
	v12 =	vmul.f32 v12, v2  }
0x1b5: {  	v15 =	vld [tilespmem:s3+$0x8B0]  }
0x1b6: {  	v10 =	vld [tilespmem:s3+$0x48B0];
	v11 =	vadd.f32 v12, v11  }
0x1b7: {  	v60 =	vld [tilespmem:s3+$0x810];
	v7 =	vmul.f32 v7, v55;
	v6 =	vmul.f32 v6, v56  }
0x1b8: {  	v61 =	vld [tilespmem:s3+$0x4810];
	v8 =	vmul.f32 v57, v8;
	v13, _, _ =	vpop (xrf2);
	(xrf2) =	vadd.scan.msk.f32 $0xffff, v11  }
0x1b9: {  	v62 =	vld [tilespmem:s3+$0x820];
	v7 =	vmul.f32 v7, v5;
	v6 =	vmul.f32 v6, v4  }
0x1ba: {  	v14 =	vld [tilespmem:s3+$0x4820]  }
0x1bb: {  	v10 =	vmul.f32 v10, v15;
	v8 =	vmul.f32 v8, v3;
	v6 =	vadd.f32 v6, v7  }
0x1bc: {  	v7 =	vld [tilespmem:s3+$0x830];
	[tilespmem:s12+$0x10980] =	vst v13  }
0x1bd: {  	s13 =	simm.s32 $0x200;
	v10 =	vmul.f32 v10, v2;
	v13 =	vadd.f32 v8, v6;
	v9 =	vld [tilespmem:s3+$0x4830]  }
0x1be: {  	v15 =	vmul.f32 v61, v60;
	v12 =	vmul.f32 v59, v58;
	v6 =	vld [tilespmem:s13+$0x8A0]  }
0x1bf: {  	v14 =	vmul.f32 v14, v62;
	v8 =	vld [tilespmem:s13+$0x880];
	v63 =	vadd.f32 v10, v13  }
0x1c0: {  	v11 =	vmul.f32 v12, v5;
	v12 =	vld [tilespmem:s13+$0x890];
	v13 =	vmul.f32 v15, v4  }
0x1c1: {  	s20 =	simm.s32 $0xC00;
	v10 =	vld [tilespmem:s13+$0x4880];
	(xrf2) =	vadd.scan.msk.f32 $0xffff, v63  }
.LBB2_10:
0x1c2: {  	p0 =	sne.s32 s20, $0x7C00;
	v15 =	vld [tilespmem:s13+$0x4890];
	v11 =	vadd.f32 v13, v11;
	v13 =	vmul.f32 v14, v3;
	v7 =	vmul.f32 v9, v7;
	v9, _, _ =	vpop (xrf2)  }
0x1c3: {  	v14 =	vld [tilespmem:s13+$0x48A0];
	[tilespmem:s12+$0x10900] =	vst v9;
	s12 =	smov.u32 s3;
	s3 =	smov.u32 s13  }
0x1c4: {  	v9 =	vld [tilespmem:s3+$0x800];
	v11 =	vadd.f32 v13, v11;
	v7 =	vmul.f32 v7, v2  }
0x1c5: {  	v13 =	vld [tilespmem:s3+$0x8B0]  }
0x1c6: {  	v16 =	vld [tilespmem:s3+$0x48B0];
	v7 =	vadd.f32 v7, v11  }
0x1c7: {  	v8 =	vmul.f32 v10, v8;
	v11 =	vld [tilespmem:s3+$0x4800];
	v10 =	vmul.f32 v15, v12  }
0x1c8: {  	v12 =	vld [tilespmem:s3+$0x810];
	v6 =	vmul.f32 v14, v6;
	(xrf2) =	vadd.scan.msk.f32 $0xffff, v7  }
0x1c9: {  	v7 =	vmul.f32 v8, v5;
	v14 =	vld [tilespmem:s3+$0x4810];
	v8 =	vmul.f32 v10, v4  }
0x1ca: {  	v15 =	vld [tilespmem:s3+$0x820]  }
0x1cb: {  	v6 =	vmul.f32 v6, v3;
	v17 =	vld [tilespmem:s3+$0x4820];
	v8 =	vadd.f32 v8, v7;
	v10 =	vmul.f32 v16, v13;
	v13, _, _ =	vpop (xrf2)  }
0x1cc: {  	v11 =	vmul.f32 v11, v9;
	v7 =	vld [tilespmem:s3+$0x830];
	[tilespmem:s12+$0x10980] =	vst v13  }
.Ltmp4:
0x1cd: {  	s13 =	sshra.s32 s20, $0x2;
	v9 =	vld [tilespmem:s3+$0x4830];
	v13 =	vadd.f32 v6, v8;
	v10 =	vmul.f32 v10, v2;
	(pc) =	sbr.rel @p0 .LBB2_10-.Ltmp4, $4  }
0x1ce: {  	v6 =	vld [tilespmem:s13+$0x8A0];
	v11 =	vmul.f32 v11, v5;
	v12 =	vmul.f32 v14, v12  }
0x1cf: {  	v8 =	vld [tilespmem:s13+$0x880];
	v16 =	vadd.f32 v10, v13  }
0x1d0: {  	v10 =	vld [tilespmem:s13+$0x4880];
	v13 =	vmul.f32 v12, v4;
	v14 =	vmul.f32 v17, v15  }
0x1d1: {  	s20 =	sadd.s32 $0x400, s20;
	v12 =	vld [tilespmem:s13+$0x890];
	(xrf2) =	vadd.scan.msk.f32 $0xffff, v16  }
0x1d2: {  	v15 =	vld [tilespmem:s13+$0x4890];
	v16, _, _ =	vpop (xrf2)  }
0x1d3: {  	v17 =	vld [tilespmem:s13+$0x48A0];
	[tilespmem:s12+$0x10900] =	vst v16  }
0x1d4: {  	v16 =	vld [tilespmem:s13+$0x800]  }
0x1d5: {  	v18 =	vld [tilespmem:s13+$0x8B0]  }
0x1d6: {  	v20 =	vld [tilespmem:s13+$0x4800]  }
0x1d7: {  	v21 =	vld [tilespmem:s13+$0x810]  }
0x1d8: {  	v22 =	vld [tilespmem:s13+$0x4810]  }
0x1d9: {  	v23 =	vld [tilespmem:s13+$0x820]  }
0x1da: {  	v7 =	vmul.f32 v9, v7;
	v9 =	vld [tilespmem:s13+$0x4820]  }
0x1db: {  	v19 =	vld [tilespmem:s13+$0x48B0];
	v8 =	vmul.f32 v10, v8;
	v10 =	vmul.f32 v15, v12;
	v12, _, _ =	vpop (xrf2)  }
0x1dc: {  	v7 =	vmul.f32 v7, v2;
	v15 =	vld [tilespmem:s13+$0x830];
	v6 =	vmul.f32 v17, v6;
	[tilespmem:s3+$0x10980] =	vst v12  }
0x1dd: {  	v11 =	vadd.f32 v13, v11;
	v8 =	vmul.f32 v8, v5;
	v13 =	vmul.f32 v22, v21;
	v53 =	vld [tilespmem:s13+$0x4830]  }
0x1de: {  	v12 =	vmul.f32 v14, v3;
	v14 =	vmul.f32 v20, v16  }
0x1df: {  	v10 =	vmul.f32 v10, v4;
	v9 =	vmul.f32 v9, v23  }
0x1e0: {  	v14 =	vmul.f32 v14, v5;
	v11 =	vadd.f32 v12, v11;
	v12 =	vmul.f32 v13, v4  }
0x1e1: {  	v6 =	vmul.f32 v6, v3;
	v8 =	vadd.f32 v10, v8;
	v10 =	vmul.f32 v19, v18  }
0x1e2: {  	v9 =	vmul.f32 v9, v3;
	v12 =	vadd.f32 v12, v14;
	v13 =	vmul.f32 v53, v15  }
0x1e3: {  	v6 =	vadd.f32 v6, v8;
	v8 =	vmul.f32 v10, v2  }
0x1e4: {  	v7 =	vadd.f32 v7, v11;
	v9 =	vadd.f32 v9, v12;
	v10 =	vmul.f32 v13, v2  }
0x1e5: {  	v6 =	vadd.f32 v8, v6  }
0x1e6: {  	(xrf2) =	vadd.scan.msk.f32 $0xffff, v7;
	v7 =	vadd.f32 v10, v9  }
0x1e7: {  	(xrf2) =	vadd.scan.msk.f32 $0xffff, v6  }
0x1e8: {  	(xrf2) =	vadd.scan.msk.f32 $0xffff, v7;
	_ =	sdelay $0x7  }
0x1e9: {  	v6, _, _ =	vpop (xrf2)  }
0x1ea: {  	[tilespmem:s3+$0x10900] =	vst v6;
	v6, _, _ =	vpop (xrf2)  }
0x1eb: {  	[tilespmem:s13+$0x10980] =	vst v6;
	v6, _, _ =	vpop (xrf2)  }
0x1ec: {  	s20 =	simm.s32 $0x300;
	[tilespmem:s13+$0x10900] =	vst v6  }
0x1ed: {  	[tilespmem:s16], [sflag:$0x8] =	stream.indirect.gather [hbm4b:s1+s15], $0x80, s20, s15, $0xb8;
	[tilespmem:$0x18B00] =	vst v63  }
0x1ee: {  	s23 =	simm.s32 $0x700  }
0x1ef: {  	[tilespmem:s17], [sflag:$0x8] =	stream.indirect.gather [hbm4b:s2+s15], $0x80, s23, s15, $0xb8;
	[tilespmem:$0x18B00] =	vst v63  }
0x1f0: {  	_ =	swait.ge [sflag:s18], $0x2000  }
0x1f1: {  	[sflag:s18] =	ssyncset.done $0x0  }
0x1f2: {  	[sflag:s18] =	ssyncadd.s32 $0xFFFFE000  }
0x1f3: {  	_ =	swait.ge [sflag:s18], $0x2000  }
0x1f4: {  	[sflag:s18] =	ssyncset.done $0x0  }
0x1f5: {  	s12 =	simm.s32 $0x0;
	[sflag:s18] =	ssyncadd.s32 $0xFFFFE000  }
0x1f6: {  	v6 =	vld [tilespmem:s12+$0x28A0]  }
0x1f7: {  	v7 =	vld [tilespmem:s12+$0x2880]  }
0x1f8: {  	v8 =	vld [tilespmem:s12+$0x6880]  }
0x1f9: {  	v9 =	vld [tilespmem:s12+$0x2890]  }
0x1fa: {  	v10 =	vld [tilespmem:s12+$0x6890]  }
0x1fb: {  	v11 =	vld [tilespmem:s12+$0x68A0];
	_ =	sdelay $0x1  }
0x1fc: {  	v13 =	vld [tilespmem:s12+$0x28B0]  }
0x1fd: {  	v14 =	vld [tilespmem:s12+$0x68B0]  }
0x1fe: {  	v7 =	vmul.f32 v8, v7;
	v8 =	vmul.f32 v10, v9  }
0x1ff: {  	v12 =	vld [tilespmem:s12+$0x2800];
	v6 =	vmul.f32 v11, v6  }
0x200: {  	v15 =	vld [tilespmem:s12+$0x6800];
	v7 =	vmul.f32 v7, v5;
	v8 =	vmul.f32 v8, v4  }
0x201: {  	v54 =	vld [tilespmem:s12+$0x6820]  }
0x202: {  	v9 =	vld [tilespmem:s12+$0x2810];
	v6 =	vmul.f32 v6, v3;
	v7 =	vadd.f32 v8, v7;
	v8 =	vmul.f32 v14, v13  }
0x203: {  	s3 =	simm.s32 $0x100;
	v10 =	vld [tilespmem:s12+$0x6810]  }
0x204: {  	v55 =	vld [tilespmem:s3+$0x2880];
	v6 =	vadd.f32 v6, v7;
	v7 =	vmul.f32 v8, v2  }
0x205: {  	v11 =	vld [tilespmem:s12+$0x2820]  }
0x206: {  	v13 =	vld [tilespmem:s12+$0x2830];
	v6 =	vadd.f32 v7, v6  }
0x207: {  	v12 =	vmul.f32 v15, v12;
	v14 =	vld [tilespmem:s12+$0x6830]  }
0x208: {  	v56 =	vld [tilespmem:s3+$0x2890];
	v9 =	vmul.f32 v10, v9;
	(xrf2) =	vadd.scan.msk.f32 $0xffff, v6  }
0x209: {  	v57 =	vld [tilespmem:s3+$0x68A0];
	v12 =	vmul.f32 v12, v5  }
0x20a: {  	v58 =	vld [tilespmem:s3+$0x2800];
	v11 =	vmul.f32 v54, v11;
	v9 =	vmul.f32 v9, v4  }
0x20b: {  	v7 =	vld [tilespmem:s3+$0x6880]  }
0x20c: {  	v11 =	vmul.f32 v11, v3;
	v9 =	vadd.f32 v9, v12;
	v12 =	vmul.f32 v14, v13;
	v6 =	vld [tilespmem:s3+$0x6890]  }
0x20d: {  	v8 =	vld [tilespmem:s3+$0x28A0]  }
0x20e: {  	v59 =	vld [tilespmem:s3+$0x6800];
	v11 =	vadd.f32 v11, v9;
	v12 =	vmul.f32 v12, v2  }
0x20f: {  	v15 =	vld [tilespmem:s3+$0x28B0]  }
0x210: {  	v10 =	vld [tilespmem:s3+$0x68B0];
	v11 =	vadd.f32 v12, v11  }
0x211: {  	v60 =	vld [tilespmem:s3+$0x2810];
	v7 =	vmul.f32 v7, v55;
	v6 =	vmul.f32 v6, v56  }
0x212: {  	v61 =	vld [tilespmem:s3+$0x6810];
	v8 =	vmul.f32 v57, v8;
	v13, _, _ =	vpop (xrf2);
	(xrf2) =	vadd.scan.msk.f32 $0xffff, v11  }
0x213: {  	v62 =	vld [tilespmem:s3+$0x2820];
	v7 =	vmul.f32 v7, v5;
	v6 =	vmul.f32 v6, v4  }
0x214: {  	v14 =	vld [tilespmem:s3+$0x6820]  }
0x215: {  	v10 =	vmul.f32 v10, v15;
	v8 =	vmul.f32 v8, v3;
	v6 =	vadd.f32 v6, v7  }
0x216: {  	v7 =	vld [tilespmem:s3+$0x2830];
	[tilespmem:s12+$0x12980] =	vst v13  }
0x217: {  	s13 =	simm.s32 $0x200;
	v10 =	vmul.f32 v10, v2;
	v13 =	vadd.f32 v8, v6;
	v9 =	vld [tilespmem:s3+$0x6830]  }
0x218: {  	v15 =	vmul.f32 v61, v60;
	v12 =	vmul.f32 v59, v58;
	v6 =	vld [tilespmem:s13+$0x28A0]  }
0x219: {  	v14 =	vmul.f32 v14, v62;
	v8 =	vld [tilespmem:s13+$0x2880];
	v63 =	vadd.f32 v10, v13  }
0x21a: {  	v11 =	vmul.f32 v12, v5;
	v12 =	vld [tilespmem:s13+$0x2890];
	v13 =	vmul.f32 v15, v4  }
0x21b: {  	s20 =	simm.s32 $0xC00;
	v10 =	vld [tilespmem:s13+$0x6880];
	(xrf2) =	vadd.scan.msk.f32 $0xffff, v63  }
.LBB2_12:
0x21c: {  	p0 =	sne.s32 s20, $0x7C00;
	v15 =	vld [tilespmem:s13+$0x6890];
	v11 =	vadd.f32 v13, v11;
	v13 =	vmul.f32 v14, v3;
	v7 =	vmul.f32 v9, v7;
	v9, _, _ =	vpop (xrf2)  }
0x21d: {  	v14 =	vld [tilespmem:s13+$0x68A0];
	[tilespmem:s12+$0x12900] =	vst v9;
	s12 =	smov.u32 s3;
	s3 =	smov.u32 s13  }
0x21e: {  	v9 =	vld [tilespmem:s3+$0x2800];
	v11 =	vadd.f32 v13, v11;
	v7 =	vmul.f32 v7, v2  }
0x21f: {  	v13 =	vld [tilespmem:s3+$0x28B0]  }
0x220: {  	v16 =	vld [tilespmem:s3+$0x68B0];
	v7 =	vadd.f32 v7, v11  }
0x221: {  	v8 =	vmul.f32 v10, v8;
	v11 =	vld [tilespmem:s3+$0x6800];
	v10 =	vmul.f32 v15, v12  }
0x222: {  	v12 =	vld [tilespmem:s3+$0x2810];
	v6 =	vmul.f32 v14, v6;
	(xrf2) =	vadd.scan.msk.f32 $0xffff, v7  }
0x223: {  	v7 =	vmul.f32 v8, v5;
	v14 =	vld [tilespmem:s3+$0x6810];
	v8 =	vmul.f32 v10, v4  }
0x224: {  	v15 =	vld [tilespmem:s3+$0x2820]  }
0x225: {  	v6 =	vmul.f32 v6, v3;
	v17 =	vld [tilespmem:s3+$0x6820];
	v8 =	vadd.f32 v8, v7;
	v10 =	vmul.f32 v16, v13;
	v13, _, _ =	vpop (xrf2)  }
0x226: {  	v11 =	vmul.f32 v11, v9;
	v7 =	vld [tilespmem:s3+$0x2830];
	[tilespmem:s12+$0x12980] =	vst v13  }
.Ltmp5:
0x227: {  	s13 =	sshra.s32 s20, $0x2;
	v9 =	vld [tilespmem:s3+$0x6830];
	v13 =	vadd.f32 v6, v8;
	v10 =	vmul.f32 v10, v2;
	(pc) =	sbr.rel @p0 .LBB2_12-.Ltmp5, $4  }
0x228: {  	v6 =	vld [tilespmem:s13+$0x28A0];
	v11 =	vmul.f32 v11, v5;
	v12 =	vmul.f32 v14, v12  }
0x229: {  	v8 =	vld [tilespmem:s13+$0x2880];
	v16 =	vadd.f32 v10, v13  }
0x22a: {  	v10 =	vld [tilespmem:s13+$0x6880];
	v13 =	vmul.f32 v12, v4;
	v14 =	vmul.f32 v17, v15  }
0x22b: {  	s20 =	sadd.s32 $0x400, s20;
	v12 =	vld [tilespmem:s13+$0x2890];
	(xrf2) =	vadd.scan.msk.f32 $0xffff, v16  }
0x22c: {  	v15 =	vld [tilespmem:s13+$0x6890];
	v16, _, _ =	vpop (xrf2)  }
0x22d: {  	v17 =	vld [tilespmem:s13+$0x68A0];
	[tilespmem:s12+$0x12900] =	vst v16  }
0x22e: {  	v16 =	vld [tilespmem:s13+$0x2800]  }
0x22f: {  	v18 =	vld [tilespmem:s13+$0x28B0]  }
0x230: {  	v20 =	vld [tilespmem:s13+$0x6800]  }
0x231: {  	v21 =	vld [tilespmem:s13+$0x2810]  }
0x232: {  	v22 =	vld [tilespmem:s13+$0x6810]  }
0x233: {  	v23 =	vld [tilespmem:s13+$0x2820]  }
0x234: {  	v7 =	vmul.f32 v9, v7;
	v9 =	vld [tilespmem:s13+$0x6820]  }
0x235: {  	v19 =	vld [tilespmem:s13+$0x68B0];
	v8 =	vmul.f32 v10, v8;
	v10 =	vmul.f32 v15, v12;
	v12, _, _ =	vpop (xrf2)  }
0x236: {  	v7 =	vmul.f32 v7, v2;
	v15 =	vld [tilespmem:s13+$0x2830];
	v6 =	vmul.f32 v17, v6;
	[tilespmem:s3+$0x12980] =	vst v12  }
0x237: {  	v11 =	vadd.f32 v13, v11;
	v8 =	vmul.f32 v8, v5;
	v13 =	vmul.f32 v22, v21;
	v53 =	vld [tilespmem:s13+$0x6830]  }
0x238: {  	v12 =	vmul.f32 v14, v3;
	v14 =	vmul.f32 v20, v16  }
0x239: {  	v10 =	vmul.f32 v10, v4;
	v9 =	vmul.f32 v9, v23  }
0x23a: {  	v14 =	vmul.f32 v14, v5;
	v11 =	vadd.f32 v12, v11;
	v12 =	vmul.f32 v13, v4  }
0x23b: {  	v6 =	vmul.f32 v6, v3;
	v8 =	vadd.f32 v10, v8;
	v10 =	vmul.f32 v19, v18  }
0x23c: {  	v9 =	vmul.f32 v9, v3;
	v12 =	vadd.f32 v12, v14;
	v13 =	vmul.f32 v53, v15  }
0x23d: {  	v6 =	vadd.f32 v6, v8;
	v8 =	vmul.f32 v10, v2  }
0x23e: {  	v7 =	vadd.f32 v7, v11;
	v9 =	vadd.f32 v9, v12;
	v10 =	vmul.f32 v13, v2  }
0x23f: {  	v6 =	vadd.f32 v8, v6  }
0x240: {  	(xrf2) =	vadd.scan.msk.f32 $0xffff, v7;
	v7 =	vadd.f32 v10, v9  }
0x241: {  	(xrf2) =	vadd.scan.msk.f32 $0xffff, v6  }
0x242: {  	(xrf2) =	vadd.scan.msk.f32 $0xffff, v7;
	_ =	sdelay $0x7  }
0x243: {  	v6, _, _ =	vpop (xrf2)  }
0x244: {  	[tilespmem:s3+$0x12900] =	vst v6;
	v6, _, _ =	vpop (xrf2)  }
0x245: {  	[tilespmem:s13+$0x12980] =	vst v6;
	v6, _, _ =	vpop (xrf2)  }
0x246: {  	s20 =	simm.s32 $0x380;
	[tilespmem:s13+$0x12900] =	vst v6  }
0x247: {  	[tilespmem:s19], [sflag:$0x9] =	stream.indirect.gather [hbm4b:s1+s15], $0x80, s20, s15, $0xb8;
	[tilespmem:$0x18B00] =	vst v63  }
0x248: {  	s23 =	simm.s32 $0x780  }
0x249: {  	[tilespmem:s21], [sflag:$0x9] =	stream.indirect.gather [hbm4b:s2+s15], $0x80, s23, s15, $0xb8;
	[tilespmem:$0x18B00] =	vst v63  }
0x24a: {  	_ =	swait.ge [sflag:s24], $0x2000  }
0x24b: {  	[sflag:s24] =	ssyncset.done $0x0  }
0x24c: {  	[sflag:s24] =	ssyncadd.s32 $0xFFFFE000  }
0x24d: {  	_ =	swait.ge [sflag:s24], $0x2000  }
0x24e: {  	[sflag:s24] =	ssyncset.done $0x0  }
0x24f: {  	s12 =	simm.s32 $0x0;
	[sflag:s24] =	ssyncadd.s32 $0xFFFFE000  }
0x250: {  	v6 =	vld [tilespmem:s12+$0x8A0]  }
0x251: {  	v7 =	vld [tilespmem:s12+$0x880]  }
0x252: {  	v8 =	vld [tilespmem:s12+$0x4880]  }
0x253: {  	v9 =	vld [tilespmem:s12+$0x890]  }
0x254: {  	v10 =	vld [tilespmem:s12+$0x4890]  }
0x255: {  	v11 =	vld [tilespmem:s12+$0x48A0];
	_ =	sdelay $0x1  }
0x256: {  	v13 =	vld [tilespmem:s12+$0x8B0]  }
0x257: {  	v14 =	vld [tilespmem:s12+$0x48B0]  }
0x258: {  	v7 =	vmul.f32 v8, v7;
	v8 =	vmul.f32 v10, v9  }
0x259: {  	v12 =	vld [tilespmem:s12+$0x800];
	v6 =	vmul.f32 v11, v6  }
0x25a: {  	v15 =	vld [tilespmem:s12+$0x4800];
	v7 =	vmul.f32 v7, v5;
	v8 =	vmul.f32 v8, v4  }
0x25b: {  	v54 =	vld [tilespmem:s12+$0x4820]  }
0x25c: {  	v9 =	vld [tilespmem:s12+$0x810];
	v6 =	vmul.f32 v6, v3;
	v7 =	vadd.f32 v8, v7;
	v8 =	vmul.f32 v14, v13  }
0x25d: {  	s3 =	simm.s32 $0x100;
	v10 =	vld [tilespmem:s12+$0x4810]  }
0x25e: {  	v55 =	vld [tilespmem:s3+$0x880];
	v6 =	vadd.f32 v6, v7;
	v7 =	vmul.f32 v8, v2  }
0x25f: {  	v11 =	vld [tilespmem:s12+$0x820]  }
0x260: {  	v13 =	vld [tilespmem:s12+$0x830];
	v6 =	vadd.f32 v7, v6  }
0x261: {  	v12 =	vmul.f32 v15, v12;
	v14 =	vld [tilespmem:s12+$0x4830]  }
0x262: {  	v56 =	vld [tilespmem:s3+$0x890];
	v9 =	vmul.f32 v10, v9;
	(xrf2) =	vadd.scan.msk.f32 $0xffff, v6  }
0x263: {  	v57 =	vld [tilespmem:s3+$0x48A0];
	v12 =	vmul.f32 v12, v5  }
0x264: {  	v58 =	vld [tilespmem:s3+$0x800];
	v11 =	vmul.f32 v54, v11;
	v9 =	vmul.f32 v9, v4  }
0x265: {  	v7 =	vld [tilespmem:s3+$0x4880]  }
0x266: {  	v11 =	vmul.f32 v11, v3;
	v9 =	vadd.f32 v9, v12;
	v12 =	vmul.f32 v14, v13;
	v6 =	vld [tilespmem:s3+$0x4890]  }
0x267: {  	v8 =	vld [tilespmem:s3+$0x8A0]  }
0x268: {  	v59 =	vld [tilespmem:s3+$0x4800];
	v11 =	vadd.f32 v11, v9;
	v12 =	vmul.f32 v12, v2  }
0x269: {  	v15 =	vld [tilespmem:s3+$0x8B0]  }
0x26a: {  	v10 =	vld [tilespmem:s3+$0x48B0];
	v11 =	vadd.f32 v12, v11  }
0x26b: {  	v60 =	vld [tilespmem:s3+$0x810];
	v7 =	vmul.f32 v7, v55;
	v6 =	vmul.f32 v6, v56  }
0x26c: {  	v61 =	vld [tilespmem:s3+$0x4810];
	v8 =	vmul.f32 v57, v8;
	v13, _, _ =	vpop (xrf2);
	(xrf2) =	vadd.scan.msk.f32 $0xffff, v11  }
0x26d: {  	v62 =	vld [tilespmem:s3+$0x820];
	v7 =	vmul.f32 v7, v5;
	v6 =	vmul.f32 v6, v4  }
0x26e: {  	v14 =	vld [tilespmem:s3+$0x4820]  }
0x26f: {  	v10 =	vmul.f32 v10, v15;
	v8 =	vmul.f32 v8, v3;
	v6 =	vadd.f32 v6, v7  }
0x270: {  	v7 =	vld [tilespmem:s3+$0x830];
	[tilespmem:s12+$0x14980] =	vst v13  }
0x271: {  	s13 =	simm.s32 $0x200;
	v10 =	vmul.f32 v10, v2;
	v13 =	vadd.f32 v8, v6;
	v9 =	vld [tilespmem:s3+$0x4830]  }
0x272: {  	v15 =	vmul.f32 v61, v60;
	v12 =	vmul.f32 v59, v58;
	v6 =	vld [tilespmem:s13+$0x8A0]  }
0x273: {  	v14 =	vmul.f32 v14, v62;
	v8 =	vld [tilespmem:s13+$0x880];
	v63 =	vadd.f32 v10, v13  }
0x274: {  	v11 =	vmul.f32 v12, v5;
	v12 =	vld [tilespmem:s13+$0x890];
	v13 =	vmul.f32 v15, v4  }
0x275: {  	s20 =	simm.s32 $0xC00;
	v10 =	vld [tilespmem:s13+$0x4880];
	(xrf2) =	vadd.scan.msk.f32 $0xffff, v63  }
.LBB2_14:
0x276: {  	p0 =	sne.s32 s20, $0x7C00;
	v15 =	vld [tilespmem:s13+$0x4890];
	v11 =	vadd.f32 v13, v11;
	v13 =	vmul.f32 v14, v3;
	v7 =	vmul.f32 v9, v7;
	v9, _, _ =	vpop (xrf2)  }
0x277: {  	v14 =	vld [tilespmem:s13+$0x48A0];
	[tilespmem:s12+$0x14900] =	vst v9;
	s12 =	smov.u32 s3;
	s3 =	smov.u32 s13  }
0x278: {  	v9 =	vld [tilespmem:s3+$0x800];
	v11 =	vadd.f32 v13, v11;
	v7 =	vmul.f32 v7, v2  }
0x279: {  	v13 =	vld [tilespmem:s3+$0x8B0]  }
0x27a: {  	v16 =	vld [tilespmem:s3+$0x48B0];
	v7 =	vadd.f32 v7, v11  }
0x27b: {  	v8 =	vmul.f32 v10, v8;
	v11 =	vld [tilespmem:s3+$0x4800];
	v10 =	vmul.f32 v15, v12  }
0x27c: {  	v12 =	vld [tilespmem:s3+$0x810];
	v6 =	vmul.f32 v14, v6;
	(xrf2) =	vadd.scan.msk.f32 $0xffff, v7  }
0x27d: {  	v7 =	vmul.f32 v8, v5;
	v14 =	vld [tilespmem:s3+$0x4810];
	v8 =	vmul.f32 v10, v4  }
0x27e: {  	v15 =	vld [tilespmem:s3+$0x820]  }
0x27f: {  	v6 =	vmul.f32 v6, v3;
	v17 =	vld [tilespmem:s3+$0x4820];
	v8 =	vadd.f32 v8, v7;
	v10 =	vmul.f32 v16, v13;
	v13, _, _ =	vpop (xrf2)  }
0x280: {  	v11 =	vmul.f32 v11, v9;
	v7 =	vld [tilespmem:s3+$0x830];
	[tilespmem:s12+$0x14980] =	vst v13  }
.Ltmp6:
0x281: {  	s13 =	sshra.s32 s20, $0x2;
	v9 =	vld [tilespmem:s3+$0x4830];
	v13 =	vadd.f32 v6, v8;
	v10 =	vmul.f32 v10, v2;
	(pc) =	sbr.rel @p0 .LBB2_14-.Ltmp6, $4  }
0x282: {  	v6 =	vld [tilespmem:s13+$0x8A0];
	v11 =	vmul.f32 v11, v5;
	v12 =	vmul.f32 v14, v12  }
0x283: {  	v8 =	vld [tilespmem:s13+$0x880];
	v16 =	vadd.f32 v10, v13  }
0x284: {  	v10 =	vld [tilespmem:s13+$0x4880];
	v13 =	vmul.f32 v12, v4;
	v14 =	vmul.f32 v17, v15  }
0x285: {  	s20 =	sadd.s32 $0x400, s20;
	v12 =	vld [tilespmem:s13+$0x890];
	(xrf2) =	vadd.scan.msk.f32 $0xffff, v16  }
0x286: {  	v15 =	vld [tilespmem:s13+$0x4890];
	v16, _, _ =	vpop (xrf2)  }
0x287: {  	v17 =	vld [tilespmem:s13+$0x48A0];
	[tilespmem:s12+$0x14900] =	vst v16  }
0x288: {  	v16 =	vld [tilespmem:s13+$0x800]  }
0x289: {  	v18 =	vld [tilespmem:s13+$0x8B0]  }
0x28a: {  	v20 =	vld [tilespmem:s13+$0x4800]  }
0x28b: {  	v21 =	vld [tilespmem:s13+$0x810]  }
0x28c: {  	v22 =	vld [tilespmem:s13+$0x4810]  }
0x28d: {  	v23 =	vld [tilespmem:s13+$0x820]  }
0x28e: {  	v7 =	vmul.f32 v9, v7;
	v9 =	vld [tilespmem:s13+$0x4820]  }
0x28f: {  	v19 =	vld [tilespmem:s13+$0x48B0];
	v8 =	vmul.f32 v10, v8;
	v10 =	vmul.f32 v15, v12;
	v12, _, _ =	vpop (xrf2)  }
0x290: {  	v7 =	vmul.f32 v7, v2;
	v15 =	vld [tilespmem:s13+$0x830];
	v6 =	vmul.f32 v17, v6;
	[tilespmem:s3+$0x14980] =	vst v12  }
0x291: {  	v11 =	vadd.f32 v13, v11;
	v8 =	vmul.f32 v8, v5;
	v13 =	vmul.f32 v22, v21;
	v53 =	vld [tilespmem:s13+$0x4830]  }
0x292: {  	v12 =	vmul.f32 v14, v3;
	v14 =	vmul.f32 v20, v16  }
0x293: {  	v10 =	vmul.f32 v10, v4;
	v9 =	vmul.f32 v9, v23  }
0x294: {  	v14 =	vmul.f32 v14, v5;
	v11 =	vadd.f32 v12, v11;
	v12 =	vmul.f32 v13, v4  }
0x295: {  	v6 =	vmul.f32 v6, v3;
	v8 =	vadd.f32 v10, v8;
	v10 =	vmul.f32 v19, v18  }
0x296: {  	v9 =	vmul.f32 v9, v3;
	v12 =	vadd.f32 v12, v14;
	v13 =	vmul.f32 v53, v15  }
0x297: {  	v6 =	vadd.f32 v6, v8;
	v8 =	vmul.f32 v10, v2  }
0x298: {  	v7 =	vadd.f32 v7, v11;
	v9 =	vadd.f32 v9, v12;
	v10 =	vmul.f32 v13, v2  }
0x299: {  	v6 =	vadd.f32 v8, v6  }
0x29a: {  	(xrf2) =	vadd.scan.msk.f32 $0xffff, v7;
	v7 =	vadd.f32 v10, v9  }
0x29b: {  	(xrf2) =	vadd.scan.msk.f32 $0xffff, v6  }
0x29c: {  	(xrf2) =	vadd.scan.msk.f32 $0xffff, v7;
	_ =	sdelay $0x7  }
0x29d: {  	v6, _, _ =	vpop (xrf2)  }
0x29e: {  	[tilespmem:s3+$0x14900] =	vst v6;
	v6, _, _ =	vpop (xrf2)  }
0x29f: {  	[tilespmem:s13+$0x14980] =	vst v6;
	v6, _, _ =	vpop (xrf2)  }
0x2a0: {  	[tilespmem:s13+$0x14900] =	vst v6  }
0x2a1: {  	_ =	swait.ge [sflag:s26], $0x2000  }
0x2a2: {  	[sflag:s26] =	ssyncset.done $0x0  }
0x2a3: {  	[sflag:s26] =	ssyncadd.s32 $0xFFFFE000  }
0x2a4: {  	_ =	swait.ge [sflag:s26], $0x2000  }
0x2a5: {  	[sflag:s26] =	ssyncset.done $0x0  }
0x2a6: {  	s12 =	simm.s32 $0x0;
	[sflag:s26] =	ssyncadd.s32 $0xFFFFE000  }
0x2a7: {  	v6 =	vld [tilespmem:s12+$0x28A0]  }
0x2a8: {  	v7 =	vld [tilespmem:s12+$0x2880]  }
0x2a9: {  	v8 =	vld [tilespmem:s12+$0x6880]  }
0x2aa: {  	v9 =	vld [tilespmem:s12+$0x2890]  }
0x2ab: {  	v10 =	vld [tilespmem:s12+$0x6890]  }
0x2ac: {  	v11 =	vld [tilespmem:s12+$0x68A0];
	_ =	sdelay $0x1  }
0x2ad: {  	v13 =	vld [tilespmem:s12+$0x28B0]  }
0x2ae: {  	v14 =	vld [tilespmem:s12+$0x68B0]  }
0x2af: {  	v7 =	vmul.f32 v8, v7;
	v8 =	vmul.f32 v10, v9  }
0x2b0: {  	v12 =	vld [tilespmem:s12+$0x2800];
	v6 =	vmul.f32 v11, v6  }
0x2b1: {  	v15 =	vld [tilespmem:s12+$0x6800];
	v7 =	vmul.f32 v7, v5;
	v8 =	vmul.f32 v8, v4  }
0x2b2: {  	v54 =	vld [tilespmem:s12+$0x6820]  }
0x2b3: {  	v9 =	vld [tilespmem:s12+$0x2810];
	v6 =	vmul.f32 v6, v3;
	v7 =	vadd.f32 v8, v7;
	v8 =	vmul.f32 v14, v13  }
0x2b4: {  	s3 =	simm.s32 $0x100;
	v10 =	vld [tilespmem:s12+$0x6810]  }
0x2b5: {  	v55 =	vld [tilespmem:s3+$0x2880];
	v6 =	vadd.f32 v6, v7;
	v7 =	vmul.f32 v8, v2  }
0x2b6: {  	v11 =	vld [tilespmem:s12+$0x2820]  }
0x2b7: {  	v13 =	vld [tilespmem:s12+$0x2830];
	v6 =	vadd.f32 v7, v6  }
0x2b8: {  	v12 =	vmul.f32 v15, v12;
	v14 =	vld [tilespmem:s12+$0x6830]  }
0x2b9: {  	v56 =	vld [tilespmem:s3+$0x2890];
	v9 =	vmul.f32 v10, v9;
	(xrf2) =	vadd.scan.msk.f32 $0xffff, v6  }
0x2ba: {  	v57 =	vld [tilespmem:s3+$0x68A0];
	v12 =	vmul.f32 v12, v5  }
0x2bb: {  	v58 =	vld [tilespmem:s3+$0x2800];
	v11 =	vmul.f32 v54, v11;
	v9 =	vmul.f32 v9, v4  }
0x2bc: {  	v7 =	vld [tilespmem:s3+$0x6880]  }
0x2bd: {  	v11 =	vmul.f32 v11, v3;
	v9 =	vadd.f32 v9, v12;
	v12 =	vmul.f32 v14, v13;
	v6 =	vld [tilespmem:s3+$0x6890]  }
0x2be: {  	v8 =	vld [tilespmem:s3+$0x28A0]  }
0x2bf: {  	v59 =	vld [tilespmem:s3+$0x6800];
	v11 =	vadd.f32 v11, v9;
	v12 =	vmul.f32 v12, v2  }
0x2c0: {  	v15 =	vld [tilespmem:s3+$0x28B0]  }
0x2c1: {  	v10 =	vld [tilespmem:s3+$0x68B0];
	v11 =	vadd.f32 v12, v11  }
0x2c2: {  	v60 =	vld [tilespmem:s3+$0x2810];
	v7 =	vmul.f32 v7, v55;
	v6 =	vmul.f32 v6, v56  }
0x2c3: {  	v61 =	vld [tilespmem:s3+$0x6810];
	v8 =	vmul.f32 v57, v8;
	v14, _, _ =	vpop (xrf2);
	(xrf2) =	vadd.scan.msk.f32 $0xffff, v11  }
0x2c4: {  	v62 =	vld [tilespmem:s3+$0x2820];
	v7 =	vmul.f32 v7, v5;
	v6 =	vmul.f32 v6, v4  }
0x2c5: {  	v13 =	vld [tilespmem:s3+$0x6820]  }
0x2c6: {  	v10 =	vmul.f32 v10, v15;
	v8 =	vmul.f32 v8, v3;
	v6 =	vadd.f32 v6, v7  }
0x2c7: {  	v7 =	vld [tilespmem:s3+$0x2830];
	[tilespmem:s12+$0x16980] =	vst v14  }
0x2c8: {  	s20 =	simm.s32 $0x200;
	v10 =	vmul.f32 v10, v2;
	v14 =	vadd.f32 v8, v6;
	v9 =	vld [tilespmem:s3+$0x6830]  }
0x2c9: {  	v15 =	vmul.f32 v61, v60;
	v12 =	vmul.f32 v59, v58;
	v6 =	vld [tilespmem:s20+$0x28A0]  }
0x2ca: {  	v13 =	vmul.f32 v13, v62;
	v8 =	vld [tilespmem:s20+$0x2880];
	v63 =	vadd.f32 v10, v14  }
0x2cb: {  	v11 =	vmul.f32 v12, v5;
	v12 =	vld [tilespmem:s20+$0x2890];
	v14 =	vmul.f32 v15, v4  }
0x2cc: {  	s23 =	simm.s32 $0xC00;
	s13 =	simm.s32 $0x0;
	v10 =	vld [tilespmem:s20+$0x6880];
	(xrf2) =	vadd.scan.msk.f32 $0xffff, v63  }
.LBB2_16:
0x2cd: {  	p0 =	sne.s32 s23, $0x7C00;
	v15 =	vld [tilespmem:s20+$0x6890];
	v11 =	vadd.f32 v14, v11;
	v13 =	vmul.f32 v13, v3;
	v7 =	vmul.f32 v9, v7;
	v9, _, _ =	vpop (xrf2)  }
0x2ce: {  	v14 =	vld [tilespmem:s20+$0x68A0];
	[tilespmem:s12+$0x16900] =	vst v9;
	s12 =	smov.u32 s3;
	s3 =	smov.u32 s20  }
0x2cf: {  	v9 =	vld [tilespmem:s3+$0x2800];
	v11 =	vadd.f32 v13, v11;
	v7 =	vmul.f32 v7, v2  }
0x2d0: {  	v13 =	vld [tilespmem:s3+$0x28B0]  }
0x2d1: {  	v16 =	vld [tilespmem:s3+$0x68B0];
	v7 =	vadd.f32 v7, v11  }
0x2d2: {  	v8 =	vmul.f32 v10, v8;
	v11 =	vld [tilespmem:s3+$0x6800];
	v10 =	vmul.f32 v15, v12  }
0x2d3: {  	v12 =	vld [tilespmem:s3+$0x2810];
	v6 =	vmul.f32 v14, v6;
	(xrf2) =	vadd.scan.msk.f32 $0xffff, v7  }
0x2d4: {  	v7 =	vmul.f32 v8, v5;
	v14 =	vld [tilespmem:s3+$0x6810];
	v8 =	vmul.f32 v10, v4  }
0x2d5: {  	v15 =	vld [tilespmem:s3+$0x2820]  }
0x2d6: {  	v6 =	vmul.f32 v6, v3;
	v17 =	vld [tilespmem:s3+$0x6820];
	v8 =	vadd.f32 v8, v7;
	v10 =	vmul.f32 v16, v13;
	v13, _, _ =	vpop (xrf2)  }
0x2d7: {  	v11 =	vmul.f32 v11, v9;
	v7 =	vld [tilespmem:s3+$0x2830];
	[tilespmem:s12+$0x16980] =	vst v13  }
.Ltmp7:
0x2d8: {  	s20 =	sshra.s32 s23, $0x2;
	v9 =	vld [tilespmem:s3+$0x6830];
	v13 =	vadd.f32 v6, v8;
	v10 =	vmul.f32 v10, v2;
	(pc) =	sbr.rel @p0 .LBB2_16-.Ltmp7, $4  }
0x2d9: {  	v6 =	vld [tilespmem:s20+$0x28A0];
	v11 =	vmul.f32 v11, v5;
	v12 =	vmul.f32 v14, v12  }
0x2da: {  	v8 =	vld [tilespmem:s20+$0x2880];
	v16 =	vadd.f32 v10, v13  }
0x2db: {  	v10 =	vld [tilespmem:s20+$0x6880];
	v14 =	vmul.f32 v12, v4;
	v13 =	vmul.f32 v17, v15  }
0x2dc: {  	s23 =	sadd.s32 $0x400, s23;
	v12 =	vld [tilespmem:s20+$0x2890];
	(xrf2) =	vadd.scan.msk.f32 $0xffff, v16  }
0x2dd: {  	v15 =	vld [tilespmem:s20+$0x6890];
	v16, _, _ =	vpop (xrf2)  }
0x2de: {  	v17 =	vld [tilespmem:s20+$0x68A0];
	[tilespmem:s12+$0x16900] =	vst v16  }
0x2df: {  	v16 =	vld [tilespmem:s20+$0x2800]  }
0x2e0: {  	v18 =	vld [tilespmem:s20+$0x28B0]  }
0x2e1: {  	v20 =	vld [tilespmem:s20+$0x6800]  }
0x2e2: {  	v21 =	vld [tilespmem:s20+$0x2810]  }
0x2e3: {  	v22 =	vld [tilespmem:s20+$0x6810]  }
0x2e4: {  	v23 =	vld [tilespmem:s20+$0x2820]  }
0x2e5: {  	v7 =	vmul.f32 v9, v7;
	v52 =	vld [tilespmem:s20+$0x6820]  }
0x2e6: {  	v13 =	vmul.f32 v13, v3;
	v19 =	vld [tilespmem:s20+$0x68B0];
	v8 =	vmul.f32 v10, v8;
	v54, _, _ =	vpop (xrf2)  }
0x2e7: {  	v55 =	vld [tilespmem:s20+$0x2830];
	v7 =	vmul.f32 v7, v2;
	v53 =	vmul.f32 v15, v12;
	[tilespmem:s3+$0x16980] =	vst v54  }
0x2e8: {  	v6 =	vmul.f32 v17, v6;
	v8 =	vmul.f32 v8, v5;
	v57 =	vld [tilespmem:s20+$0x6830]  }
0x2e9: {  	v11 =	vadd.f32 v14, v11;
	v16 =	vmul.f32 v20, v16;
	v56 =	vmul.f32 v22, v21  }
0x2ea: {  	v10 =	vmul.f32 v53, v4;
	v9 =	vmul.f32 v52, v23  }
0x2eb: {  	v11 =	vadd.f32 v13, v11;
	v58 =	vmul.f32 v16, v5;
	v59 =	vmul.f32 v56, v4  }
0x2ec: {  	v6 =	vmul.f32 v6, v3;
	v60 =	vmul.f32 v19, v18;
	v8 =	vadd.f32 v10, v8  }
0x2ed: {  	v3 =	vmul.f32 v9, v3;
	v4 =	vadd.f32 v59, v58;
	v61 =	vmul.f32 v57, v55  }
0x2ee: {  	v62 =	vmul.f32 v60, v2;
	v6 =	vadd.f32 v6, v8  }
0x2ef: {  	v7 =	vadd.f32 v7, v11;
	v3 =	vadd.f32 v3, v4;
	v2 =	vmul.f32 v61, v2  }
0x2f0: {  	v63 =	vadd.f32 v62, v6  }
0x2f1: {  	(xrf2) =	vadd.scan.msk.f32 $0xffff, v7;
	v2 =	vadd.f32 v2, v3  }
0x2f2: {  	(xrf2) =	vadd.scan.msk.f32 $0xffff, v63  }
0x2f3: {  	(xrf2) =	vadd.scan.msk.f32 $0xffff, v2;
	_ =	sdelay $0x3  }
0x2f4: {  	v2 =	vmov s13  }
0x2f5: {  	v2 =	vshll.u32 v2, $0x7  }
0x2f6: {  	v2 =	vor.u32 v0, v2  }
0x2f7: {  	v2 =	vor.u32 $0xF, v2  }
0x2f8: {  	v3, _, _ =	vpop (xrf2)  }
0x2f9: {  	[tilespmem:s3+$0x16900] =	vst v3;
	v3, _, _ =	vpop (xrf2)  }
0x2fa: {  	[tilespmem:s20+$0x16980] =	vst v3;
	v3, _, _ =	vpop (xrf2)  }
0x2fb: {  	[tilespmem:s20+$0x16900] =	vst v3  }
0x2fc: {  	v2 =	vld.idx.msk [tilespmem:v2+s28+$0x0], $0xffff;
	_ =	sdelay $0x4  }
0x2fd: {  	v2 =	vadd.f32 v2, v1;
	_ =	sdelay $0x1  }
0x2fe: {  	v2 =	vsub.f32 $0.0e+00, v2;
	_ =	sdelay $0x1  }
0x2ff: {  	v2 =	vmul.f32 $1.442695020e+00, v2;
	_ =	sdelay $0x1  }
0x300: {  	(erf) = vpow2.f32 v2;
	_ =	sdelay $0x8  }
0x301: {  	v2 =	vpop (erf)  }
0x302: {  	v2 =	vadd.f32 $1.000000000e+00, v2;
	_ =	sdelay $0x1  }
0x303: {  	(erf) = vrcp.f32 v2;
	_ =	sdelay $0x1  }
0x304: {  	s20 =	simm.s32 $0x10  }
0x305: {  	v2 =	vmov s20  }
0x306: {  	v2 =	vshll.u32 v2, $0x7  }
0x307: {  	v2 =	vor.u32 v0, v2  }
0x308: {  	v2 =	vor.u32 $0xF, v2;
	_ =	sdelay $0x2  }
0x309: {  	s3 =	simm.s32 $0x18900;
	v3 =	vpop (erf)  }
0x30a: {  	[tilespmem:s3+$0x0] =	vst v3  }
0x30b: {  	v2 =	vld.idx.msk [tilespmem:v2+s28+$0x0], $0xffff;
	_ =	sdelay $0x4  }
0x30c: {  	v2 =	vadd.f32 v2, v1;
	_ =	sdelay $0x1  }
0x30d: {  	v2 =	vsub.f32 $0.0e+00, v2;
	_ =	sdelay $0x1  }
0x30e: {  	v2 =	vmul.f32 $1.442695020e+00, v2;
	_ =	sdelay $0x1  }
0x30f: {  	(erf) = vpow2.f32 v2;
	_ =	sdelay $0x8  }
0x310: {  	v2 =	vpop (erf)  }
0x311: {  	v2 =	vadd.f32 $1.000000000e+00, v2;
	_ =	sdelay $0x1  }
0x312: {  	(erf) = vrcp.f32 v2;
	_ =	sdelay $0x1  }
0x313: {  	s23 =	simm.s32 $0x20  }
0x314: {  	s12 =	simm.s32 $0x30;
	v2 =	vmov s23  }
.LBB2_18:
0x315: {  	p0 =	sne.s32 s12, $0x1F0;
	v2 =	vshll.u32 v2, $0x7  }
0x316: {  	v2 =	vor.u32 v0, v2  }
0x317: {  	v2 =	vor.u32 $0xF, v2;
	_ =	sdelay $0x2  }
0x318: {  	s3 =	sadd.s32 $0x10, s3;
	v3 =	vpop (erf)  }
0x319: {  	[tilespmem:s3+$0x0] =	vst v3  }
0x31a: {  	v2 =	vld.idx.msk [tilespmem:v2+s28+$0x0], $0xffff;
	_ =	sdelay $0x5  }
0x31b: {  	v2 =	vadd.f32 v2, v1;
	_ =	sdelay $0x1  }
0x31c: {  	v2 =	vsub.f32 $0.0e+00, v2;
	_ =	sdelay $0x1  }
0x31d: {  	v2 =	vmul.f32 $1.442695020e+00, v2;
	_ =	sdelay $0x1  }
0x31e: {  	(erf) = vpow2.f32 v2;
	_ =	sdelay $0x8  }
0x31f: {  	v2 =	vpop (erf)  }
0x320: {  	v2 =	vadd.f32 $1.000000000e+00, v2  }
.Ltmp8:
0x321: {  	(pc) =	sbr.rel @p0 .LBB2_18-.Ltmp8, $2  }
0x322: {  	(erf) = vrcp.f32 v2;
	_ =	sdelay $0x2  }
0x323: {  	v2 =	vmov s12;
	s12 =	sadd.s32 $0x10, s12  }
0x324: {  	v2 =	vshll.u32 v2, $0x7  }
0x325: {  	v2 =	vor.u32 v0, v2  }
0x326: {  	v2 =	vor.u32 $0xF, v2;
	_ =	sdelay $0x2  }
0x327: {  	s3 =	sadd.s32 $0x10, s3;
	v3 =	vpop (erf)  }
0x328: {  	[tilespmem:s3+$0x0] =	vst v3  }
0x329: {  	v2 =	vld.idx.msk [tilespmem:v2+s28+$0x0], $0xffff;
	_ =	sdelay $0x4  }
0x32a: {  	v1 =	vadd.f32 v2, v1;
	_ =	sdelay $0x1  }
0x32b: {  	v1 =	vsub.f32 $0.0e+00, v1;
	_ =	sdelay $0x1  }
0x32c: {  	v1 =	vmul.f32 $1.442695020e+00, v1;
	_ =	sdelay $0x1  }
0x32d: {  	(erf) = vpow2.f32 v1;
	_ =	sdelay $0x8  }
0x32e: {  	v1 =	vpop (erf)  }
0x32f: {  	v1 =	vadd.f32 $1.000000000e+00, v1;
	_ =	sdelay $0x1  }
0x330: {  	(erf) = vrcp.f32 v1;
	_ =	sdelay $0x7  }
0x331: {  	s4 =	sadd.s32 $0x1, s4  }
0x332: {  	p0 =	sne.s32 s4, s10;
	s3 =	sadd.s32 $0x10, s3;
	v1 =	vpop (erf)  }
.Ltmp9:
0x333: {  	[tilespmem:s3+$0x0] =	vst v1;
	(pc) =	sbr.rel @p0 .LBB2_1-.Ltmp9, $4  }
0x334: {  	[hbm4b:s9+s6] =	stream.linear.scatter [tilespmem:s30], [sflag:$0xA], $0x200, $0x38;
	[tilespmem:$0x18B00] =	vst v63  }
0x335: {  	_ =	swait.ge [sflag:s31], $0x200  }
0x336: {  	[sflag:s31] =	ssyncset.done $0x0  }
0x337: {  	[sflag:s31] =	ssyncadd.s32 $0xFFFFFE00  }
0x338: {  	_ =	sfence.sel $0x180000  }
0x339: {  	[bflag:$0x0] =	sbarrier.arrive $0xFFFF  }
0x33a: {  	_ =	strace $0x90000047  }
0x33b: {  	s0 =	stileid.u32;
	[bflag:$0x2] =	sbarrier.arrive $0xFFFF  }
0x33c: {  	p0 =	sne.s32 s0, $0x0;
	s0 =	rddreg [dreg:$0x6]  }
0x33d: {  	s0 =	sadd.s32 @!p0 $0x100000, s0  }
0x33e: {  	[sflag:s0] =	ssyncadd.tile.s32 @!p0 $0x1;
	_ =	shalt  }
.Lfunc_end2:
_tile_overlayer_lowered:
.L_overlay_start_2:
0x33f: {  	(tag) =	ssettag $0x2  }
0x340: {  	s0 =	rddreg [dreg:$0x0];
	s2 =	stileid.u32  }
0x341: {  	s1 =	rddreg [dreg:$0x1];
	p0 =	sne.s32 s2, $0x0  }
0x342: {  	s3 =	rddreg [dreg:$0x2];
	[bflag:$0x3] =	sbarrier.arrive $0xFFFF;
	s2 =	simm.s32 @!p0 $0x1C0A  }
0x343: {  	[timem:s3], [sflag:s2] =	dma.local @!p0 [hbm:s0], s1  }
0x344: {  	s0 =	simm.s32 @!p0 $0xA  }
0x345: {  	_ =	swait.ge @!p0 [sflag:s0], s1  }
0x346: {  	s1 =	ssub.s32 @!p0 $0x0, s1;
	[sflag:s0] =	ssyncset.done @!p0 $0x0  }
0x347: {  	[sflag:s0] =	ssyncadd.s32 @!p0 s1  }
0x348: {  	[bflag:$0x3] =	sbarrier.arrive $0xFFFF  }
0x349: {  	_ =	shalt  }

</sc_bundles>
